<compile_context>
chip_gen: v7x
topology: tpu7x:2x2x1
jax: 0.10.2.dev20260603
libtpu: 0.0.44.dev20260713+nightly
codegen_flags: <defaults>
</compile_context>

<pallas_src>
import functools

import jax
import jax.numpy as jnp
from jax import lax
from jax.experimental import pallas as pl
from jax.experimental.pallas import tpu as pltpu
from jax.experimental.pallas import tpu_sc as plsc

N = 10000
E = 320000
D = 128
EPS = 1e-5

NC = 2
NS = 16
EW = E // (NC * NS)
CH = 112
NFULL = EW // CH
TAIL = EW - NFULL * CH
N_PAD = 10112
STRIPE = N_PAD // NS


def _sc_segment_sum(x, src4, dst4):
    mesh = plsc.VectorSubcoreMesh(core_axis_name="c", subcore_axis_name="s")

    @functools.partial(
        pl.kernel,
        mesh=mesh,
        out_type=jax.ShapeDtypeStruct((NC, N_PAD, D), jnp.float32),
        compiler_params=pltpu.CompilerParams(use_tc_tiling_on_sc=False),
        scratch_types=[
            pltpu.VMEM((EW,), jnp.int32),
            pltpu.VMEM((EW,), jnp.int32),
            pltpu.VMEM((CH, D), jnp.float32),
            pltpu.VMEM((CH, D), jnp.float32),
            pltpu.VMEM_SHARED((N_PAD, D), jnp.float32),
            pltpu.SemaphoreType.DMA,
            pltpu.SemaphoreType.DMA,
            pltpu.SemaphoreType.DMA,
        ],
    )
    def k(x_hbm, src_hbm, dst_hbm, out_hbm,
          src_v, dst_v, rows0_v, rows1_v, agg_sh, sem0, sem1, semz):
        c = lax.axis_index("c")
        s = lax.axis_index("s")
        pltpu.async_copy(src_hbm.at[c, s], src_v, sem0)
        pltpu.async_copy(dst_hbm.at[c, s], dst_v, sem1)

        zero16 = jnp.zeros((16,), jnp.float32)

        def zbody(i, carry):
            for kcol in range(D // 16):
                rows0_v[i, pl.ds(kcol * 16, 16)] = zero16
            return carry

        lax.fori_loop(0, CH, zbody, 0)
        nfull_z = STRIPE // CH
        rem_z = STRIPE - nfull_z * CH
        for kz in range(nfull_z):
            pltpu.async_copy(
                rows0_v, agg_sh.at[pl.ds(s * STRIPE + kz * CH, CH)], semz)
        pltpu.async_copy(
            rows0_v.at[pl.ds(0, rem_z)],
            agg_sh.at[pl.ds(s * STRIPE + nfull_z * CH, rem_z)], semz)
        for kz in range(nfull_z):
            pltpu.make_async_copy(
                rows0_v, agg_sh.at[pl.ds(s * STRIPE + kz * CH, CH)],
                semz).wait()
        pltpu.make_async_copy(
            rows0_v.at[pl.ds(0, rem_z)],
            agg_sh.at[pl.ds(s * STRIPE + nfull_z * CH, rem_z)], semz).wait()
        pltpu.make_async_copy(src_hbm.at[c, s], src_v, sem0).wait()
        pltpu.make_async_copy(dst_hbm.at[c, s], dst_v, sem1).wait()
        plsc.subcore_barrier()

        def start(j, buf, sem):
            pltpu.async_copy(x_hbm.at[src_v.at[pl.ds(j * CH, CH)]], buf, sem)

        def finish(j, buf, sem):
            pltpu.make_async_copy(
                x_hbm.at[src_v.at[pl.ds(j * CH, CH)]], buf, sem).wait()
            pltpu.sync_copy(buf, agg_sh.at[dst_v.at[pl.ds(j * CH, CH)]],
                            add=True)

        start(0, rows0_v, sem0)
        start(1, rows1_v, sem1)

        def body(jj, carry):
            j0 = 2 * jj
            finish(j0, rows0_v, sem0)
            start(j0 + 2, rows0_v, sem0)
            finish(j0 + 1, rows1_v, sem1)
            start(j0 + 3, rows1_v, sem1)
            return carry

        lax.fori_loop(0, (NFULL - 3) // 2, body, 0)
        finish(NFULL - 3, rows0_v, sem0)
        start(NFULL - 1, rows0_v, sem0)
        finish(NFULL - 2, rows1_v, sem1)
        tail0 = NFULL * CH
        tbuf = rows1_v.at[pl.ds(0, TAIL)]
        pltpu.async_copy(x_hbm.at[src_v.at[pl.ds(tail0, TAIL)]], tbuf, sem1)
        finish(NFULL - 1, rows0_v, sem0)
        pltpu.make_async_copy(
            x_hbm.at[src_v.at[pl.ds(tail0, TAIL)]], tbuf, sem1).wait()
        pltpu.sync_copy(tbuf, agg_sh.at[dst_v.at[pl.ds(tail0, TAIL)]],
                        add=True)
        plsc.subcore_barrier()
        pltpu.sync_copy(agg_sh.at[pl.ds(s * STRIPE, STRIPE)],
                        out_hbm.at[c, pl.ds(s * STRIPE, STRIPE)])

    return k(x, src4, dst4)


def _tc_finish(partials, wt, x, bn_w, bn_b):

    def body(p_ref, wt_ref, x_ref, w_ref, b_ref, o_ref):
        agg = p_ref[0, :N, :] + p_ref[1, :N, :]
        h = jnp.dot(agg, wt_ref[...], preferred_element_type=jnp.float32)
        mean = jnp.mean(h, axis=0, keepdims=True)
        var = jnp.mean(h * h, axis=0, keepdims=True) - mean * mean
        o = (h - mean) * (lax.rsqrt(var + EPS) * w_ref[...]) + b_ref[...]
        o_ref[...] = jnp.maximum(o, 0.0) + x_ref[...]

    return pl.pallas_call(
        body,
        out_shape=jax.ShapeDtypeStruct((N, D), jnp.float32),
    )(partials, wt, x, bn_w.reshape(1, D), bn_b.reshape(1, D))


def kernel(x, edge_index, W, b, bn_weight, bn_bias):
    del b
    src4 = edge_index[0].reshape(NC, NS, EW)
    dst4 = edge_index[1].reshape(NC, NS, EW)
    partials = _sc_segment_sum(x, src4, dst4)
    return _tc_finish(partials, W.T, x, bn_weight, bn_bias)

# --- scband reference (transcript-rebuilt; emitter-appended) ---
"""Pipeline reference for scband-gnnres-block-35510789603457 (READ-ONLY COPY).

The authoritative reference and input builder live on the scoring server;
editing this copy changes nothing except your own understanding.
"""

import jax, jax.numpy as jnp
import numpy as np

N_NODES = 10000
N_EDGES = 320000
D = 128
EPS = 1e-5


def setup_inputs(seed: int = 0) -> dict:
    key = jax.random.key(seed)
    k1, k2, k3 = jax.random.split(key, 3)
    x = jax.random.normal(k1, (N_NODES, D), dtype=jnp.float32)
    edge_index = jax.random.randint(k2, (2, N_EDGES), 0, N_NODES, dtype=jnp.int32)
    # GCNConv linear weight (out_channels, in_channels) and bias
    W = jax.random.normal(k3, (D, D), dtype=jnp.float32) * (1.0 / np.sqrt(D))
    b = jnp.zeros((D,), dtype=jnp.float32)
    # BatchNorm affine params
    bn_weight = jnp.ones((D,), dtype=jnp.float32)
    bn_bias = jnp.zeros((D,), dtype=jnp.float32)
    return {"x": x, "edge_index": edge_index, "W": W, "b": b,
            "bn_weight": bn_weight, "bn_bias": bn_bias}


def reference(x, edge_index, W, b, bn_weight, bn_bias):
    # GCNConv with normalize=False (hence no self-loops, no deg normalization):
    #   h = x @ W^T; out[dst] = sum_{edges} h[src]; out += bias
    h = x @ W.T
    src = edge_index[0]
    dst = edge_index[1]
    agg = jax.ops.segment_sum(h[src], dst, num_segments=x.shape[0])
    out = agg + b
    # BatchNorm (training-mode batch statistics over nodes)
    mean = jnp.mean(out, axis=0)
    var = jnp.var(out, axis=0)
    out = (out - mean) / jnp.sqrt(var + EPS) * bn_weight + bn_bias
    # ReLU
    out = jax.nn.relu(out)
    # dropout with training=False is identity
    # residual (in_channels == out_channels)
    out = out + x
    return out

if __name__ == "__main__":
    import jax
    _d = setup_inputs()
    print(jax.jit(kernel)(*tuple(_d.values())))

</pallas_src>

<mosaic_0001>
#map = affine_map<(d0, d1) -> (0, 0)>
#map1 = affine_map<(d0, d1) -> (0, 0, 0)>
module attributes {stable_mosaic.version = 14 : i64} {
  func.func @k(%arg0: i32, %arg1: i32, %arg2: memref<10000x128xf32, #tpu.memory_space<hbm>>, %arg3: memref<2x16x10000xi32, #tpu.memory_space<hbm>>, %arg4: memref<2x16x10000xi32, #tpu.memory_space<hbm>>, %arg5: memref<2x10112x128xf32, #tpu.memory_space<hbm>>, %arg6: memref<10000xi32, #tpu.memory_space<vmem>>, %arg7: memref<10000xi32, #tpu.memory_space<vmem>>, %arg8: memref<112x128xf32, #tpu.memory_space<vmem>>, %arg9: memref<112x128xf32, #tpu.memory_space<vmem>>, %arg10: memref<10112x128xf32, #tpu.memory_space<vmem_shared>>, %arg11: memref<!tpu.dma_semaphore, #tpu.memory_space<semaphore_mem>>, %arg12: memref<!tpu.dma_semaphore, #tpu.memory_space<semaphore_mem>>, %arg13: memref<!tpu.dma_semaphore, #tpu.memory_space<semaphore_mem>>) attributes {dimension_semantics = [#tpu.dimension_semantics<core_parallel>, #tpu.dimension_semantics<subcore_parallel>], iteration_bounds = array<i64: 2, 16>, scalar_prefetch = 0 : i64, scratch_operands = 8 : i64, tpu.core_type = #tpu.core_type<sc_vector_subcore>, window_params = [{transform_indices = #map}, {transform_indices = #map1}, {transform_indices = #map1}, {transform_indices = #map1}]} {
    %dma_start3A = arith.constant 0 : i32
    %dma_start3A_0 = tpu.memref_slice %arg3[%arg0, %arg1, %dma_start3A] : memref<2x16x10000xi32, #tpu.memory_space<hbm>> -> memref<1x1x10000xi32, #tpu.memory_space<hbm>>
    %dma_start3A_1 = tpu.memref_squeeze %dma_start3A_0 : memref<1x1x10000xi32, #tpu.memory_space<hbm>> -> memref<10000xi32, #tpu.memory_space<hbm>>
    %dma_start3A_2 = arith.constant 0 : i32
    %dma_start3A_3 = tpu.memref_slice %arg3[%arg0, %arg1, %dma_start3A_2] : memref<2x16x10000xi32, #tpu.memory_space<hbm>> -> memref<1x1x10000xi32, #tpu.memory_space<hbm>>
    %dma_start3A_4 = tpu.memref_squeeze %dma_start3A_3 : memref<1x1x10000xi32, #tpu.memory_space<hbm>> -> memref<10000xi32, #tpu.memory_space<hbm>>
    tpu.enqueue_dma source(%dma_start3A_4 : memref<10000xi32, #tpu.memory_space<hbm>>) target(%arg6 : memref<10000xi32, #tpu.memory_space<vmem>>) target_semaphore(%arg11 : memref<!tpu.dma_semaphore, #tpu.memory_space<semaphore_mem>>)
    %dma_start3A_5 = arith.constant 0 : i32
    %dma_start3A_6 = tpu.memref_slice %arg4[%arg0, %arg1, %dma_start3A_5] : memref<2x16x10000xi32, #tpu.memory_space<hbm>> -> memref<1x1x10000xi32, #tpu.memory_space<hbm>>
    %dma_start3A_7 = tpu.memref_squeeze %dma_start3A_6 : memref<1x1x10000xi32, #tpu.memory_space<hbm>> -> memref<10000xi32, #tpu.memory_space<hbm>>
    %dma_start3A_8 = arith.constant 0 : i32
    %dma_start3A_9 = tpu.memref_slice %arg4[%arg0, %arg1, %dma_start3A_8] : memref<2x16x10000xi32, #tpu.memory_space<hbm>> -> memref<1x1x10000xi32, #tpu.memory_space<hbm>>
    %dma_start3A_10 = tpu.memref_squeeze %dma_start3A_9 : memref<1x1x10000xi32, #tpu.memory_space<hbm>> -> memref<10000xi32, #tpu.memory_space<hbm>>
    tpu.enqueue_dma source(%dma_start3A_10 : memref<10000xi32, #tpu.memory_space<hbm>>) target(%arg7 : memref<10000xi32, #tpu.memory_space<vmem>>) target_semaphore(%arg12 : memref<!tpu.dma_semaphore, #tpu.memory_space<semaphore_mem>>)
    %broadcast_in_dim3A = arith.constant 0.000000e+00 : f32
    %broadcast_in_dim3A_11 = vector.broadcast %broadcast_in_dim3A : f32 to vector<16xf32>
    %scan3A = arith.constant 0 : i32
    %scan3A_12 = arith.constant 0 : i32
    %scan3A_13 = arith.constant 112 : i32
    %scan3A_14 = arith.addi %scan3A_12, %scan3A_13 : i32
    %scan3A_15 = arith.constant 1 : i32
    scf.for %scan3A_191 = %scan3A_12 to %scan3A_14 step %scan3A_15  : i32 {
      %swap3A = arith.index_cast %scan3A_191 : i32 to index
      %swap3A_192 = arith.constant 0 : index
      %swap3A_193 = tpu.vector_load %arg8[%swap3A, %swap3A_192] {strides = array<i32>} : memref<112x128xf32, #tpu.memory_space<vmem>>, vector<1x16xf32>,
      %swap3A_194 = vector.shape_cast %swap3A_193 : vector<1x16xf32> to vector<16xf32>
      %swap3A_195 = vector.shape_cast %broadcast_in_dim3A_11 : vector<16xf32> to vector<1x16xf32>
      tpu.vector_store %arg8[%swap3A, %swap3A_192], %swap3A_195 {strides = array<i32>} : memref<112x128xf32, #tpu.memory_space<vmem>>, vector<1x16xf32>,
      %swap3A_196 = arith.index_cast %scan3A_191 : i32 to index
      %swap3A_197 = arith.constant 16 : index
      %swap3A_198 = tpu.vector_load %arg8[%swap3A_196, %swap3A_197] {strides = array<i32>} : memref<112x128xf32, #tpu.memory_space<vmem>>, vector<1x16xf32>,
      %swap3A_199 = vector.shape_cast %swap3A_198 : vector<1x16xf32> to vector<16xf32>
      %swap3A_200 = vector.shape_cast %broadcast_in_dim3A_11 : vector<16xf32> to vector<1x16xf32>
      tpu.vector_store %arg8[%swap3A_196, %swap3A_197], %swap3A_200 {strides = array<i32>} : memref<112x128xf32, #tpu.memory_space<vmem>>, vector<1x16xf32>,
      %swap3A_201 = arith.index_cast %scan3A_191 : i32 to index
      %swap3A_202 = arith.constant 32 : index
      %swap3A_203 = tpu.vector_load %arg8[%swap3A_201, %swap3A_202] {strides = array<i32>} : memref<112x128xf32, #tpu.memory_space<vmem>>, vector<1x16xf32>,
      %swap3A_204 = vector.shape_cast %swap3A_203 : vector<1x16xf32> to vector<16xf32>
      %swap3A_205 = vector.shape_cast %broadcast_in_dim3A_11 : vector<16xf32> to vector<1x16xf32>
      tpu.vector_store %arg8[%swap3A_201, %swap3A_202], %swap3A_205 {strides = array<i32>} : memref<112x128xf32, #tpu.memory_space<vmem>>, vector<1x16xf32>,
      %swap3A_206 = arith.index_cast %scan3A_191 : i32 to index
      %swap3A_207 = arith.constant 48 : index
      %swap3A_208 = tpu.vector_load %arg8[%swap3A_206, %swap3A_207] {strides = array<i32>} : memref<112x128xf32, #tpu.memory_space<vmem>>, vector<1x16xf32>,
      %swap3A_209 = vector.shape_cast %swap3A_208 : vector<1x16xf32> to vector<16xf32>
      %swap3A_210 = vector.shape_cast %broadcast_in_dim3A_11 : vector<16xf32> to vector<1x16xf32>
      tpu.vector_store %arg8[%swap3A_206, %swap3A_207], %swap3A_210 {strides = array<i32>} : memref<112x128xf32, #tpu.memory_space<vmem>>, vector<1x16xf32>,
      %swap3A_211 = arith.index_cast %scan3A_191 : i32 to index
      %swap3A_212 = arith.constant 64 : index
      %swap3A_213 = tpu.vector_load %arg8[%swap3A_211, %swap3A_212] {strides = array<i32>} : memref<112x128xf32, #tpu.memory_space<vmem>>, vector<1x16xf32>,
      %swap3A_214 = vector.shape_cast %swap3A_213 : vector<1x16xf32> to vector<16xf32>
      %swap3A_215 = vector.shape_cast %broadcast_in_dim3A_11 : vector<16xf32> to vector<1x16xf32>
      tpu.vector_store %arg8[%swap3A_211, %swap3A_212], %swap3A_215 {strides = array<i32>} : memref<112x128xf32, #tpu.memory_space<vmem>>, vector<1x16xf32>,
      %swap3A_216 = arith.index_cast %scan3A_191 : i32 to index
      %swap3A_217 = arith.constant 80 : index
      %swap3A_218 = tpu.vector_load %arg8[%swap3A_216, %swap3A_217] {strides = array<i32>} : memref<112x128xf32, #tpu.memory_space<vmem>>, vector<1x16xf32>,
      %swap3A_219 = vector.shape_cast %swap3A_218 : vector<1x16xf32> to vector<16xf32>
      %swap3A_220 = vector.shape_cast %broadcast_in_dim3A_11 : vector<16xf32> to vector<1x16xf32>
      tpu.vector_store %arg8[%swap3A_216, %swap3A_217], %swap3A_220 {strides = array<i32>} : memref<112x128xf32, #tpu.memory_space<vmem>>, vector<1x16xf32>,
      %swap3A_221 = arith.index_cast %scan3A_191 : i32 to index
      %swap3A_222 = arith.constant 96 : index
      %swap3A_223 = tpu.vector_load %arg8[%swap3A_221, %swap3A_222] {strides = array<i32>} : memref<112x128xf32, #tpu.memory_space<vmem>>, vector<1x16xf32>,
      %swap3A_224 = vector.shape_cast %swap3A_223 : vector<1x16xf32> to vector<16xf32>
      %swap3A_225 = vector.shape_cast %broadcast_in_dim3A_11 : vector<16xf32> to vector<1x16xf32>
      tpu.vector_store %arg8[%swap3A_221, %swap3A_222], %swap3A_225 {strides = array<i32>} : memref<112x128xf32, #tpu.memory_space<vmem>>, vector<1x16xf32>,
      %swap3A_226 = arith.index_cast %scan3A_191 : i32 to index
      %swap3A_227 = arith.constant 112 : index
      %swap3A_228 = tpu.vector_load %arg8[%swap3A_226, %swap3A_227] {strides = array<i32>} : memref<112x128xf32, #tpu.memory_space<vmem>>, vector<1x16xf32>,
      %swap3A_229 = vector.shape_cast %swap3A_228 : vector<1x16xf32> to vector<16xf32>
      %swap3A_230 = vector.shape_cast %broadcast_in_dim3A_11 : vector<16xf32> to vector<1x16xf32>
      tpu.vector_store %arg8[%swap3A_226, %swap3A_227], %swap3A_230 {strides = array<i32>} : memref<112x128xf32, #tpu.memory_space<vmem>>, vector<1x16xf32>,
    }
    %scan3A_16 = arith.constant 112 : i32
    %mul3A = arith.constant 632 : i32
    %mul3A_17 = arith.muli %arg1, %mul3A : i32
    %add3A = arith.constant 0 : i32
    %add3A_18 = arith.addi %mul3A_17, %add3A : i32
    %dma_start3A_19 = arith.constant 0 : i32
    %dma_start3A_20 = tpu.memref_slice %arg10[%add3A_18, %dma_start3A_19] : memref<10112x128xf32, #tpu.memory_space<vmem_shared>> -> memref<112x128xf32, #tpu.memory_space<vmem_shared>>
    %dma_start3A_21 = arith.constant 0 : i32
    %dma_start3A_22 = tpu.memref_slice %arg10[%add3A_18, %dma_start3A_21] : memref<10112x128xf32, #tpu.memory_space<vmem_shared>> -> memref<112x128xf32, #tpu.memory_space<vmem_shared>>
    tpu.enqueue_dma source(%arg8 : memref<112x128xf32, #tpu.memory_space<vmem>>) target(%dma_start3A_22 : memref<112x128xf32, #tpu.memory_space<vmem_shared>>) target_semaphore(%arg13 : memref<!tpu.dma_semaphore, #tpu.memory_space<semaphore_mem>>)
    %mul3A_23 = arith.constant 632 : i32
    %mul3A_24 = arith.muli %arg1, %mul3A_23 : i32
    %add3A_25 = arith.constant 112 : i32
    %add3A_26 = arith.addi %mul3A_24, %add3A_25 : i32
    %dma_start3A_27 = arith.constant 0 : i32
    %dma_start3A_28 = tpu.memref_slice %arg10[%add3A_26, %dma_start3A_27] : memref<10112x128xf32, #tpu.memory_space<vmem_shared>> -> memref<112x128xf32, #tpu.memory_space<vmem_shared>>
    %dma_start3A_29 = arith.constant 0 : i32
    %dma_start3A_30 = tpu.memref_slice %arg10[%add3A_26, %dma_start3A_29] : memref<10112x128xf32, #tpu.memory_space<vmem_shared>> -> memref<112x128xf32, #tpu.memory_space<vmem_shared>>
    tpu.enqueue_dma source(%arg8 : memref<112x128xf32, #tpu.memory_space<vmem>>) target(%dma_start3A_30 : memref<112x128xf32, #tpu.memory_space<vmem_shared>>) target_semaphore(%arg13 : memref<!tpu.dma_semaphore, #tpu.memory_space<semaphore_mem>>)
    %mul3A_31 = arith.constant 632 : i32
    %mul3A_32 = arith.muli %arg1, %mul3A_31 : i32
    %add3A_33 = arith.constant 224 : i32
    %add3A_34 = arith.addi %mul3A_32, %add3A_33 : i32
    %dma_start3A_35 = arith.constant 0 : i32
    %dma_start3A_36 = tpu.memref_slice %arg10[%add3A_34, %dma_start3A_35] : memref<10112x128xf32, #tpu.memory_space<vmem_shared>> -> memref<112x128xf32, #tpu.memory_space<vmem_shared>>
    %dma_start3A_37 = arith.constant 0 : i32
    %dma_start3A_38 = tpu.memref_slice %arg10[%add3A_34, %dma_start3A_37] : memref<10112x128xf32, #tpu.memory_space<vmem_shared>> -> memref<112x128xf32, #tpu.memory_space<vmem_shared>>
    tpu.enqueue_dma source(%arg8 : memref<112x128xf32, #tpu.memory_space<vmem>>) target(%dma_start3A_38 : memref<112x128xf32, #tpu.memory_space<vmem_shared>>) target_semaphore(%arg13 : memref<!tpu.dma_semaphore, #tpu.memory_space<semaphore_mem>>)
    %mul3A_39 = arith.constant 632 : i32
    %mul3A_40 = arith.muli %arg1, %mul3A_39 : i32
    %add3A_41 = arith.constant 336 : i32
    %add3A_42 = arith.addi %mul3A_40, %add3A_41 : i32
    %dma_start3A_43 = arith.constant 0 : i32
    %dma_start3A_44 = tpu.memref_slice %arg10[%add3A_42, %dma_start3A_43] : memref<10112x128xf32, #tpu.memory_space<vmem_shared>> -> memref<112x128xf32, #tpu.memory_space<vmem_shared>>
    %dma_start3A_45 = arith.constant 0 : i32
    %dma_start3A_46 = tpu.memref_slice %arg10[%add3A_42, %dma_start3A_45] : memref<10112x128xf32, #tpu.memory_space<vmem_shared>> -> memref<112x128xf32, #tpu.memory_space<vmem_shared>>
    tpu.enqueue_dma source(%arg8 : memref<112x128xf32, #tpu.memory_space<vmem>>) target(%dma_start3A_46 : memref<112x128xf32, #tpu.memory_space<vmem_shared>>) target_semaphore(%arg13 : memref<!tpu.dma_semaphore, #tpu.memory_space<semaphore_mem>>)
    %mul3A_47 = arith.constant 632 : i32
    %mul3A_48 = arith.muli %arg1, %mul3A_47 : i32
    %add3A_49 = arith.constant 448 : i32
    %add3A_50 = arith.addi %mul3A_48, %add3A_49 : i32
    %dma_start3A_51 = arith.constant 0 : i32
    %dma_start3A_52 = tpu.memref_slice %arg10[%add3A_50, %dma_start3A_51] : memref<10112x128xf32, #tpu.memory_space<vmem_shared>> -> memref<112x128xf32, #tpu.memory_space<vmem_shared>>
    %dma_start3A_53 = arith.constant 0 : i32
    %dma_start3A_54 = tpu.memref_slice %arg10[%add3A_50, %dma_start3A_53] : memref<10112x128xf32, #tpu.memory_space<vmem_shared>> -> memref<112x128xf32, #tpu.memory_space<vmem_shared>>
    tpu.enqueue_dma source(%arg8 : memref<112x128xf32, #tpu.memory_space<vmem>>) target(%dma_start3A_54 : memref<112x128xf32, #tpu.memory_space<vmem_shared>>) target_semaphore(%arg13 : memref<!tpu.dma_semaphore, #tpu.memory_space<semaphore_mem>>)
    %mul3A_55 = arith.constant 632 : i32
    %mul3A_56 = arith.muli %arg1, %mul3A_55 : i32
    %add3A_57 = arith.constant 560 : i32
    %add3A_58 = arith.addi %mul3A_56, %add3A_57 : i32
    %dma_start3A_59 = arith.constant 0 : i32
    %dma_start3A_60 = arith.constant 0 : i32
    %dma_start3A_61 = tpu.memref_slice %arg8[%dma_start3A_59, %dma_start3A_60] : memref<112x128xf32, #tpu.memory_space<vmem>> -> memref<72x128xf32, #tpu.memory_space<vmem>>
    %dma_start3A_62 = arith.constant 0 : i32
    %dma_start3A_63 = tpu.memref_slice %arg10[%add3A_58, %dma_start3A_62] : memref<10112x128xf32, #tpu.memory_space<vmem_shared>> -> memref<72x128xf32, #tpu.memory_space<vmem_shared>>
    %dma_start3A_64 = arith.constant 0 : i32
    %dma_start3A_65 = tpu.memref_slice %arg10[%add3A_58, %dma_start3A_64] : memref<10112x128xf32, #tpu.memory_space<vmem_shared>> -> memref<72x128xf32, #tpu.memory_space<vmem_shared>>
    %dma_start3A_66 = arith.constant 0 : i32
    %dma_start3A_67 = arith.constant 0 : i32
    %dma_start3A_68 = tpu.memref_slice %arg8[%dma_start3A_66, %dma_start3A_67] : memref<112x128xf32, #tpu.memory_space<vmem>> -> memref<72x128xf32, #tpu.memory_space<vmem>>
    tpu.enqueue_dma source(%dma_start3A_68 : memref<72x128xf32, #tpu.memory_space<vmem>>) target(%dma_start3A_65 : memref<72x128xf32, #tpu.memory_space<vmem_shared>>) target_semaphore(%arg13 : memref<!tpu.dma_semaphore, #tpu.memory_space<semaphore_mem>>)
    %mul3A_69 = arith.constant 632 : i32
    %mul3A_70 = arith.muli %arg1, %mul3A_69 : i32
    %add3A_71 = arith.constant 0 : i32
    %add3A_72 = arith.addi %mul3A_70, %add3A_71 : i32
    %dma_wait3A = arith.constant 0 : i32
    %dma_wait3A_73 = tpu.memref_slice %arg10[%add3A_72, %dma_wait3A] : memref<10112x128xf32, #tpu.memory_space<vmem_shared>> -> memref<112x128xf32, #tpu.memory_space<vmem_shared>>
    %dma_wait3A_74 = arith.constant 0 : i32
    %dma_wait3A_75 = tpu.memref_slice %arg10[%add3A_72, %dma_wait3A_74] : memref<10112x128xf32, #tpu.memory_space<vmem_shared>> -> memref<112x128xf32, #tpu.memory_space<vmem_shared>>
    tpu.wait_dma2 semaphore(%arg13 : memref<!tpu.dma_semaphore, #tpu.memory_space<semaphore_mem>>) src(%arg8 : memref<112x128xf32, #tpu.memory_space<vmem>>) dst(%dma_wait3A_75 : memref<112x128xf32, #tpu.memory_space<vmem_shared>>)
    %mul3A_76 = arith.constant 632 : i32
    %mul3A_77 = arith.muli %arg1, %mul3A_76 : i32
    %add3A_78 = arith.constant 112 : i32
    %add3A_79 = arith.addi %mul3A_77, %add3A_78 : i32
    %dma_wait3A_80 = arith.constant 0 : i32
    %dma_wait3A_81 = tpu.memref_slice %arg10[%add3A_79, %dma_wait3A_80] : memref<10112x128xf32, #tpu.memory_space<vmem_shared>> -> memref<112x128xf32, #tpu.memory_space<vmem_shared>>
    %dma_wait3A_82 = arith.constant 0 : i32
    %dma_wait3A_83 = tpu.memref_slice %arg10[%add3A_79, %dma_wait3A_82] : memref<10112x128xf32, #tpu.memory_space<vmem_shared>> -> memref<112x128xf32, #tpu.memory_space<vmem_shared>>
    tpu.wait_dma2 semaphore(%arg13 : memref<!tpu.dma_semaphore, #tpu.memory_space<semaphore_mem>>) src(%arg8 : memref<112x128xf32, #tpu.memory_space<vmem>>) dst(%dma_wait3A_83 : memref<112x128xf32, #tpu.memory_space<vmem_shared>>)
    %mul3A_84 = arith.constant 632 : i32
    %mul3A_85 = arith.muli %arg1, %mul3A_84 : i32
    %add3A_86 = arith.constant 224 : i32
    %add3A_87 = arith.addi %mul3A_85, %add3A_86 : i32
    %dma_wait3A_88 = arith.constant 0 : i32
    %dma_wait3A_89 = tpu.memref_slice %arg10[%add3A_87, %dma_wait3A_88] : memref<10112x128xf32, #tpu.memory_space<vmem_shared>> -> memref<112x128xf32, #tpu.memory_space<vmem_shared>>
    %dma_wait3A_90 = arith.constant 0 : i32
    %dma_wait3A_91 = tpu.memref_slice %arg10[%add3A_87, %dma_wait3A_90] : memref<10112x128xf32, #tpu.memory_space<vmem_shared>> -> memref<112x128xf32, #tpu.memory_space<vmem_shared>>
    tpu.wait_dma2 semaphore(%arg13 : memref<!tpu.dma_semaphore, #tpu.memory_space<semaphore_mem>>) src(%arg8 : memref<112x128xf32, #tpu.memory_space<vmem>>) dst(%dma_wait3A_91 : memref<112x128xf32, #tpu.memory_space<vmem_shared>>)
    %mul3A_92 = arith.constant 632 : i32
    %mul3A_93 = arith.muli %arg1, %mul3A_92 : i32
    %add3A_94 = arith.constant 336 : i32
    %add3A_95 = arith.addi %mul3A_93, %add3A_94 : i32
    %dma_wait3A_96 = arith.constant 0 : i32
    %dma_wait3A_97 = tpu.memref_slice %arg10[%add3A_95, %dma_wait3A_96] : memref<10112x128xf32, #tpu.memory_space<vmem_shared>> -> memref<112x128xf32, #tpu.memory_space<vmem_shared>>
    %dma_wait3A_98 = arith.constant 0 : i32
    %dma_wait3A_99 = tpu.memref_slice %arg10[%add3A_95, %dma_wait3A_98] : memref<10112x128xf32, #tpu.memory_space<vmem_shared>> -> memref<112x128xf32, #tpu.memory_space<vmem_shared>>
    tpu.wait_dma2 semaphore(%arg13 : memref<!tpu.dma_semaphore, #tpu.memory_space<semaphore_mem>>) src(%arg8 : memref<112x128xf32, #tpu.memory_space<vmem>>) dst(%dma_wait3A_99 : memref<112x128xf32, #tpu.memory_space<vmem_shared>>)
    %mul3A_100 = arith.constant 632 : i32
    %mul3A_101 = arith.muli %arg1, %mul3A_100 : i32
    %add3A_102 = arith.constant 448 : i32
    %add3A_103 = arith.addi %mul3A_101, %add3A_102 : i32
    %dma_wait3A_104 = arith.constant 0 : i32
    %dma_wait3A_105 = tpu.memref_slice %arg10[%add3A_103, %dma_wait3A_104] : memref<10112x128xf32, #tpu.memory_space<vmem_shared>> -> memref<112x128xf32, #tpu.memory_space<vmem_shared>>
    %dma_wait3A_106 = arith.constant 0 : i32
    %dma_wait3A_107 = tpu.memref_slice %arg10[%add3A_103, %dma_wait3A_106] : memref<10112x128xf32, #tpu.memory_space<vmem_shared>> -> memref<112x128xf32, #tpu.memory_space<vmem_shared>>
    tpu.wait_dma2 semaphore(%arg13 : memref<!tpu.dma_semaphore, #tpu.memory_space<semaphore_mem>>) src(%arg8 : memref<112x128xf32, #tpu.memory_space<vmem>>) dst(%dma_wait3A_107 : memref<112x128xf32, #tpu.memory_space<vmem_shared>>)
    %mul3A_108 = arith.constant 632 : i32
    %mul3A_109 = arith.muli %arg1, %mul3A_108 : i32
    %add3A_110 = arith.constant 560 : i32
    %add3A_111 = arith.addi %mul3A_109, %add3A_110 : i32
    %dma_wait3A_112 = arith.constant 0 : i32
    %dma_wait3A_113 = arith.constant 0 : i32
    %dma_wait3A_114 = tpu.memref_slice %arg8[%dma_wait3A_112, %dma_wait3A_113] : memref<112x128xf32, #tpu.memory_space<vmem>> -> memref<72x128xf32, #tpu.memory_space<vmem>>
    %dma_wait3A_115 = arith.constant 0 : i32
    %dma_wait3A_116 = tpu.memref_slice %arg10[%add3A_111, %dma_wait3A_115] : memref<10112x128xf32, #tpu.memory_space<vmem_shared>> -> memref<72x128xf32, #tpu.memory_space<vmem_shared>>
    %dma_wait3A_117 = arith.constant 0 : i32
    %dma_wait3A_118 = tpu.memref_slice %arg10[%add3A_111, %dma_wait3A_117] : memref<10112x128xf32, #tpu.memory_space<vmem_shared>> -> memref<72x128xf32, #tpu.memory_space<vmem_shared>>
    %dma_wait3A_119 = arith.constant 0 : i32
    %dma_wait3A_120 = arith.constant 0 : i32
    %dma_wait3A_121 = tpu.memref_slice %arg8[%dma_wait3A_119, %dma_wait3A_120] : memref<112x128xf32, #tpu.memory_space<vmem>> -> memref<72x128xf32, #tpu.memory_space<vmem>>
    tpu.wait_dma2 semaphore(%arg13 : memref<!tpu.dma_semaphore, #tpu.memory_space<semaphore_mem>>) src(%dma_wait3A_121 : memref<72x128xf32, #tpu.memory_space<vmem>>) dst(%dma_wait3A_118 : memref<72x128xf32, #tpu.memory_space<vmem_shared>>)
    %dma_wait3A_122 = arith.constant 0 : i32
    %dma_wait3A_123 = tpu.memref_slice %arg3[%arg0, %arg1, %dma_wait3A_122] : memref<2x16x10000xi32, #tpu.memory_space<hbm>> -> memref<1x1x10000xi32, #tpu.memory_space<hbm>>
    %dma_wait3A_124 = tpu.memref_squeeze %dma_wait3A_123 : memref<1x1x10000xi32, #tpu.memory_space<hbm>> -> memref<10000xi32, #tpu.memory_space<hbm>>
    %dma_wait3A_125 = arith.constant 0 : i32
    %dma_wait3A_126 = tpu.memref_slice %arg3[%arg0, %arg1, %dma_wait3A_125] : memref<2x16x10000xi32, #tpu.memory_space<hbm>> -> memref<1x1x10000xi32, #tpu.memory_space<hbm>>
    %dma_wait3A_127 = tpu.memref_squeeze %dma_wait3A_126 : memref<1x1x10000xi32, #tpu.memory_space<hbm>> -> memref<10000xi32, #tpu.memory_space<hbm>>
    tpu.wait_dma2 semaphore(%arg11 : memref<!tpu.dma_semaphore, #tpu.memory_space<semaphore_mem>>) src(%dma_wait3A_127 : memref<10000xi32, #tpu.memory_space<hbm>>) dst(%arg6 : memref<10000xi32, #tpu.memory_space<vmem>>)
    %dma_wait3A_128 = arith.constant 0 : i32
    %dma_wait3A_129 = tpu.memref_slice %arg4[%arg0, %arg1, %dma_wait3A_128] : memref<2x16x10000xi32, #tpu.memory_space<hbm>> -> memref<1x1x10000xi32, #tpu.memory_space<hbm>>
    %dma_wait3A_130 = tpu.memref_squeeze %dma_wait3A_129 : memref<1x1x10000xi32, #tpu.memory_space<hbm>> -> memref<10000xi32, #tpu.memory_space<hbm>>
    %dma_wait3A_131 = arith.constant 0 : i32
    %dma_wait3A_132 = tpu.memref_slice %arg4[%arg0, %arg1, %dma_wait3A_131] : memref<2x16x10000xi32, #tpu.memory_space<hbm>> -> memref<1x1x10000xi32, #tpu.memory_space<hbm>>
    %dma_wait3A_133 = tpu.memref_squeeze %dma_wait3A_132 : memref<1x1x10000xi32, #tpu.memory_space<hbm>> -> memref<10000xi32, #tpu.memory_space<hbm>>
    tpu.wait_dma2 semaphore(%arg12 : memref<!tpu.dma_semaphore, #tpu.memory_space<semaphore_mem>>) src(%dma_wait3A_133 : memref<10000xi32, #tpu.memory_space<hbm>>) dst(%arg7 : memref<10000xi32, #tpu.memory_space<vmem>>)
    %barrier3A = arith.constant 0 : index
    tpu.barrier barrier_id(%barrier3A)
    %dma_start3A_134 = arith.constant 0 : i32
    %dma_start3A_135 = tpu.memref_slice %arg6[%dma_start3A_134] : memref<10000xi32, #tpu.memory_space<vmem>> -> memref<112xi32, #tpu.memory_space<vmem>>
    %dma_start3A_136 = arith.constant 0 : i32
    %dma_start3A_137 = arith.constant 0 : i32
    %dma_start3A_138 = tpu.memref_slice %arg2[%dma_start3A_136, %dma_start3A_137] : memref<10000x128xf32, #tpu.memory_space<hbm>> -> memref<10000x128xf32, #tpu.memory_space<hbm>>
    tpu.enqueue_indirect_dma source(%dma_start3A_138 : memref<10000x128xf32, #tpu.memory_space<hbm>>) target(%arg8 : memref<112x128xf32, #tpu.memory_space<vmem>>) offsets(%dma_start3A_135 : memref<112xi32, #tpu.memory_space<vmem>>) semaphore(%arg11 : memref<!tpu.dma_semaphore, #tpu.memory_space<semaphore_mem>>)
    %dma_start3A_139 = arith.constant 112 : i32
    %dma_start3A_140 = tpu.memref_slice %arg6[%dma_start3A_139] : memref<10000xi32, #tpu.memory_space<vmem>> -> memref<112xi32, #tpu.memory_space<vmem>>
    %dma_start3A_141 = arith.constant 0 : i32
    %dma_start3A_142 = arith.constant 0 : i32
    %dma_start3A_143 = tpu.memref_slice %arg2[%dma_start3A_141, %dma_start3A_142] : memref<10000x128xf32, #tpu.memory_space<hbm>> -> memref<10000x128xf32, #tpu.memory_space<hbm>>
    tpu.enqueue_indirect_dma source(%dma_start3A_143 : memref<10000x128xf32, #tpu.memory_space<hbm>>) target(%arg9 : memref<112x128xf32, #tpu.memory_space<vmem>>) offsets(%dma_start3A_140 : memref<112xi32, #tpu.memory_space<vmem>>) semaphore(%arg12 : memref<!tpu.dma_semaphore, #tpu.memory_space<semaphore_mem>>)
    %scan3A_144 = arith.constant 0 : i32
    %scan3A_145 = arith.constant 0 : i32
    %scan3A_146 = arith.constant 43 : i32
    %scan3A_147 = arith.addi %scan3A_145, %scan3A_146 : i32
    %scan3A_148 = arith.constant 1 : i32
    scf.for %scan3A_191 = %scan3A_145 to %scan3A_147 step %scan3A_148  : i32 {
      %mul3A_192 = arith.constant 2 : i32
      %mul3A_193 = arith.muli %mul3A_192, %scan3A_191 : i32
      %mul3A_194 = arith.constant 112 : i32
      %mul3A_195 = arith.muli %mul3A_193, %mul3A_194 : i32
      %dma_wait3A_196 = tpu.memref_slice %arg6[%mul3A_195] : memref<10000xi32, #tpu.memory_space<vmem>> -> memref<112xi32, #tpu.memory_space<vmem>>
      %dma_wait3A_197 = arith.constant 0 : i32
      %dma_wait3A_198 = arith.constant 0 : i32
      %dma_wait3A_199 = tpu.memref_slice %arg2[%dma_wait3A_197, %dma_wait3A_198] : memref<10000x128xf32, #tpu.memory_space<hbm>> -> memref<10000x128xf32, #tpu.memory_space<hbm>>
      tpu.wait_indirect_dma semaphore(%arg11 : memref<!tpu.dma_semaphore, #tpu.memory_space<semaphore_mem>>) src(%dma_wait3A_199 : memref<10000x128xf32, #tpu.memory_space<hbm>>) dst(%arg8 : memref<112x128xf32, #tpu.memory_space<vmem>>)
      %mul3A_200 = arith.constant 112 : i32
      %mul3A_201 = arith.muli %mul3A_193, %mul3A_200 : i32
      "tpu.region"() ({
        %run_scoped3A = tpu.sem_alloc : memref<!tpu.dma_semaphore, #tpu.memory_space<semaphore_mem>>
        %dma_start3A_228 = tpu.memref_slice %arg7[%mul3A_201] : memref<10000xi32, #tpu.memory_space<vmem>> -> memref<112xi32, #tpu.memory_space<vmem>>
        %dma_start3A_229 = arith.constant 0 : i32
        %dma_start3A_230 = arith.constant 0 : i32
        %dma_start3A_231 = tpu.memref_slice %arg10[%dma_start3A_229, %dma_start3A_230] : memref<10112x128xf32, #tpu.memory_space<vmem_shared>> -> memref<10112x128xf32, #tpu.memory_space<vmem_shared>>
        tpu.enqueue_indirect_dma source(%arg8 : memref<112x128xf32, #tpu.memory_space<vmem>>) target(%dma_start3A_231 : memref<10112x128xf32, #tpu.memory_space<vmem_shared>>) offsets(%dma_start3A_228 : memref<112xi32, #tpu.memory_space<vmem>>) semaphore(%run_scoped3A : memref<!tpu.dma_semaphore, #tpu.memory_space<semaphore_mem>>) {add = true}
        %dma_wait3A_232 = tpu.memref_slice %arg7[%mul3A_201] : memref<10000xi32, #tpu.memory_space<vmem>> -> memref<112xi32, #tpu.memory_space<vmem>>
        %dma_wait3A_233 = arith.constant 0 : i32
        %dma_wait3A_234 = arith.constant 0 : i32
        %dma_wait3A_235 = tpu.memref_slice %arg10[%dma_wait3A_233, %dma_wait3A_234] : memref<10112x128xf32, #tpu.memory_space<vmem_shared>> -> memref<10112x128xf32, #tpu.memory_space<vmem_shared>>
        tpu.wait_indirect_dma semaphore(%run_scoped3A : memref<!tpu.dma_semaphore, #tpu.memory_space<semaphore_mem>>) src(%arg8 : memref<112x128xf32, #tpu.memory_space<vmem>>) dst(%dma_wait3A_235 : memref<10112x128xf32, #tpu.memory_space<vmem_shared>>)
        tpu.yield
      }) : () -> ()
      %add3A_202 = arith.constant 2 : i32
      %add3A_203 = arith.addi %mul3A_193, %add3A_202 : i32
      %mul3A_204 = arith.constant 112 : i32
      %mul3A_205 = arith.muli %add3A_203, %mul3A_204 : i32
      %dma_start3A_206 = tpu.memref_slice %arg6[%mul3A_205] : memref<10000xi32, #tpu.memory_space<vmem>> -> memref<112xi32, #tpu.memory_space<vmem>>
      %dma_start3A_207 = arith.constant 0 : i32
      %dma_start3A_208 = arith.constant 0 : i32
      %dma_start3A_209 = tpu.memref_slice %arg2[%dma_start3A_207, %dma_start3A_208] : memref<10000x128xf32, #tpu.memory_space<hbm>> -> memref<10000x128xf32, #tpu.memory_space<hbm>>
      tpu.enqueue_indirect_dma source(%dma_start3A_209 : memref<10000x128xf32, #tpu.memory_space<hbm>>) target(%arg8 : memref<112x128xf32, #tpu.memory_space<vmem>>) offsets(%dma_start3A_206 : memref<112xi32, #tpu.memory_space<vmem>>) semaphore(%arg11 : memref<!tpu.dma_semaphore, #tpu.memory_space<semaphore_mem>>)
      %add3A_210 = arith.constant 1 : i32
      %add3A_211 = arith.addi %mul3A_193, %add3A_210 : i32
      %mul3A_212 = arith.constant 112 : i32
      %mul3A_213 = arith.muli %add3A_211, %mul3A_212 : i32
      %dma_wait3A_214 = tpu.memref_slice %arg6[%mul3A_213] : memref<10000xi32, #tpu.memory_space<vmem>> -> memref<112xi32, #tpu.memory_space<vmem>>
      %dma_wait3A_215 = arith.constant 0 : i32
      %dma_wait3A_216 = arith.constant 0 : i32
      %dma_wait3A_217 = tpu.memref_slice %arg2[%dma_wait3A_215, %dma_wait3A_216] : memref<10000x128xf32, #tpu.memory_space<hbm>> -> memref<10000x128xf32, #tpu.memory_space<hbm>>
      tpu.wait_indirect_dma semaphore(%arg12 : memref<!tpu.dma_semaphore, #tpu.memory_space<semaphore_mem>>) src(%dma_wait3A_217 : memref<10000x128xf32, #tpu.memory_space<hbm>>) dst(%arg9 : memref<112x128xf32, #tpu.memory_space<vmem>>)
      %mul3A_218 = arith.constant 112 : i32
      %mul3A_219 = arith.muli %add3A_211, %mul3A_218 : i32
      "tpu.region"() ({
        %run_scoped3A = tpu.sem_alloc : memref<!tpu.dma_semaphore, #tpu.memory_space<semaphore_mem>>
        %dma_start3A_228 = tpu.memref_slice %arg7[%mul3A_219] : memref<10000xi32, #tpu.memory_space<vmem>> -> memref<112xi32, #tpu.memory_space<vmem>>
        %dma_start3A_229 = arith.constant 0 : i32
        %dma_start3A_230 = arith.constant 0 : i32
        %dma_start3A_231 = tpu.memref_slice %arg10[%dma_start3A_229, %dma_start3A_230] : memref<10112x128xf32, #tpu.memory_space<vmem_shared>> -> memref<10112x128xf32, #tpu.memory_space<vmem_shared>>
        tpu.enqueue_indirect_dma source(%arg9 : memref<112x128xf32, #tpu.memory_space<vmem>>) target(%dma_start3A_231 : memref<10112x128xf32, #tpu.memory_space<vmem_shared>>) offsets(%dma_start3A_228 : memref<112xi32, #tpu.memory_space<vmem>>) semaphore(%run_scoped3A : memref<!tpu.dma_semaphore, #tpu.memory_space<semaphore_mem>>) {add = true}
        %dma_wait3A_232 = tpu.memref_slice %arg7[%mul3A_219] : memref<10000xi32, #tpu.memory_space<vmem>> -> memref<112xi32, #tpu.memory_space<vmem>>
        %dma_wait3A_233 = arith.constant 0 : i32
        %dma_wait3A_234 = arith.constant 0 : i32
        %dma_wait3A_235 = tpu.memref_slice %arg10[%dma_wait3A_233, %dma_wait3A_234] : memref<10112x128xf32, #tpu.memory_space<vmem_shared>> -> memref<10112x128xf32, #tpu.memory_space<vmem_shared>>
        tpu.wait_indirect_dma semaphore(%run_scoped3A : memref<!tpu.dma_semaphore, #tpu.memory_space<semaphore_mem>>) src(%arg9 : memref<112x128xf32, #tpu.memory_space<vmem>>) dst(%dma_wait3A_235 : memref<10112x128xf32, #tpu.memory_space<vmem_shared>>)
        tpu.yield
      }) : () -> ()
      %add3A_220 = arith.constant 3 : i32
      %add3A_221 = arith.addi %mul3A_193, %add3A_220 : i32
      %mul3A_222 = arith.constant 112 : i32
      %mul3A_223 = arith.muli %add3A_221, %mul3A_222 : i32
      %dma_start3A_224 = tpu.memref_slice %arg6[%mul3A_223] : memref<10000xi32, #tpu.memory_space<vmem>> -> memref<112xi32, #tpu.memory_space<vmem>>
      %dma_start3A_225 = arith.constant 0 : i32
      %dma_start3A_226 = arith.constant 0 : i32
      %dma_start3A_227 = tpu.memref_slice %arg2[%dma_start3A_225, %dma_start3A_226] : memref<10000x128xf32, #tpu.memory_space<hbm>> -> memref<10000x128xf32, #tpu.memory_space<hbm>>
      tpu.enqueue_indirect_dma source(%dma_start3A_227 : memref<10000x128xf32, #tpu.memory_space<hbm>>) target(%arg9 : memref<112x128xf32, #tpu.memory_space<vmem>>) offsets(%dma_start3A_224 : memref<112xi32, #tpu.memory_space<vmem>>) semaphore(%arg12 : memref<!tpu.dma_semaphore, #tpu.memory_space<semaphore_mem>>)
    }
    %scan3A_149 = arith.constant 43 : i32
    %dma_wait3A_150 = arith.constant 9632 : i32
    %dma_wait3A_151 = tpu.memref_slice %arg6[%dma_wait3A_150] : memref<10000xi32, #tpu.memory_space<vmem>> -> memref<112xi32, #tpu.memory_space<vmem>>
    %dma_wait3A_152 = arith.constant 0 : i32
    %dma_wait3A_153 = arith.constant 0 : i32
    %dma_wait3A_154 = tpu.memref_slice %arg2[%dma_wait3A_152, %dma_wait3A_153] : memref<10000x128xf32, #tpu.memory_space<hbm>> -> memref<10000x128xf32, #tpu.memory_space<hbm>>
    tpu.wait_indirect_dma semaphore(%arg11 : memref<!tpu.dma_semaphore, #tpu.memory_space<semaphore_mem>>) src(%dma_wait3A_154 : memref<10000x128xf32, #tpu.memory_space<hbm>>) dst(%arg8 : memref<112x128xf32, #tpu.memory_space<vmem>>)
    "tpu.region"() ({
      %run_scoped3A = tpu.sem_alloc : memref<!tpu.dma_semaphore, #tpu.memory_space<semaphore_mem>>
      %dma_start3A_191 = arith.constant 9632 : i32
      %dma_start3A_192 = tpu.memref_slice %arg7[%dma_start3A_191] : memref<10000xi32, #tpu.memory_space<vmem>> -> memref<112xi32, #tpu.memory_space<vmem>>
      %dma_start3A_193 = arith.constant 0 : i32
      %dma_start3A_194 = arith.constant 0 : i32
      %dma_start3A_195 = tpu.memref_slice %arg10[%dma_start3A_193, %dma_start3A_194] : memref<10112x128xf32, #tpu.memory_space<vmem_shared>> -> memref<10112x128xf32, #tpu.memory_space<vmem_shared>>
      tpu.enqueue_indirect_dma source(%arg8 : memref<112x128xf32, #tpu.memory_space<vmem>>) target(%dma_start3A_195 : memref<10112x128xf32, #tpu.memory_space<vmem_shared>>) offsets(%dma_start3A_192 : memref<112xi32, #tpu.memory_space<vmem>>) semaphore(%run_scoped3A : memref<!tpu.dma_semaphore, #tpu.memory_space<semaphore_mem>>) {add = true}
      %dma_wait3A_196 = arith.constant 9632 : i32
      %dma_wait3A_197 = tpu.memref_slice %arg7[%dma_wait3A_196] : memref<10000xi32, #tpu.memory_space<vmem>> -> memref<112xi32, #tpu.memory_space<vmem>>
      %dma_wait3A_198 = arith.constant 0 : i32
      %dma_wait3A_199 = arith.constant 0 : i32
      %dma_wait3A_200 = tpu.memref_slice %arg10[%dma_wait3A_198, %dma_wait3A_199] : memref<10112x128xf32, #tpu.memory_space<vmem_shared>> -> memref<10112x128xf32, #tpu.memory_space<vmem_shared>>
      tpu.wait_indirect_dma semaphore(%run_scoped3A : memref<!tpu.dma_semaphore, #tpu.memory_space<semaphore_mem>>) src(%arg8 : memref<112x128xf32, #tpu.memory_space<vmem>>) dst(%dma_wait3A_200 : memref<10112x128xf32, #tpu.memory_space<vmem_shared>>)
      tpu.yield
    }) : () -> ()
    %dma_start3A_155 = arith.constant 9856 : i32
    %dma_start3A_156 = tpu.memref_slice %arg6[%dma_start3A_155] : memref<10000xi32, #tpu.memory_space<vmem>> -> memref<112xi32, #tpu.memory_space<vmem>>
    %dma_start3A_157 = arith.constant 0 : i32
    %dma_start3A_158 = arith.constant 0 : i32
    %dma_start3A_159 = tpu.memref_slice %arg2[%dma_start3A_157, %dma_start3A_158] : memref<10000x128xf32, #tpu.memory_space<hbm>> -> memref<10000x128xf32, #tpu.memory_space<hbm>>
    tpu.enqueue_indirect_dma source(%dma_start3A_159 : memref<10000x128xf32, #tpu.memory_space<hbm>>) target(%arg8 : memref<112x128xf32, #tpu.memory_space<vmem>>) offsets(%dma_start3A_156 : memref<112xi32, #tpu.memory_space<vmem>>) semaphore(%arg11 : memref<!tpu.dma_semaphore, #tpu.memory_space<semaphore_mem>>)
    %dma_wait3A_160 = arith.constant 9744 : i32
    %dma_wait3A_161 = tpu.memref_slice %arg6[%dma_wait3A_160] : memref<10000xi32, #tpu.memory_space<vmem>> -> memref<112xi32, #tpu.memory_space<vmem>>
    %dma_wait3A_162 = arith.constant 0 : i32
    %dma_wait3A_163 = arith.constant 0 : i32
    %dma_wait3A_164 = tpu.memref_slice %arg2[%dma_wait3A_162, %dma_wait3A_163] : memref<10000x128xf32, #tpu.memory_space<hbm>> -> memref<10000x128xf32, #tpu.memory_space<hbm>>
    tpu.wait_indirect_dma semaphore(%arg12 : memref<!tpu.dma_semaphore, #tpu.memory_space<semaphore_mem>>) src(%dma_wait3A_164 : memref<10000x128xf32, #tpu.memory_space<hbm>>) dst(%arg9 : memref<112x128xf32, #tpu.memory_space<vmem>>)
    "tpu.region"() ({
      %run_scoped3A = tpu.sem_alloc : memref<!tpu.dma_semaphore, #tpu.memory_space<semaphore_mem>>
      %dma_start3A_191 = arith.constant 9744 : i32
      %dma_start3A_192 = tpu.memref_slice %arg7[%dma_start3A_191] : memref<10000xi32, #tpu.memory_space<vmem>> -> memref<112xi32, #tpu.memory_space<vmem>>
      %dma_start3A_193 = arith.constant 0 : i32
      %dma_start3A_194 = arith.constant 0 : i32
      %dma_start3A_195 = tpu.memref_slice %arg10[%dma_start3A_193, %dma_start3A_194] : memref<10112x128xf32, #tpu.memory_space<vmem_shared>> -> memref<10112x128xf32, #tpu.memory_space<vmem_shared>>
      tpu.enqueue_indirect_dma source(%arg9 : memref<112x128xf32, #tpu.memory_space<vmem>>) target(%dma_start3A_195 : memref<10112x128xf32, #tpu.memory_space<vmem_shared>>) offsets(%dma_start3A_192 : memref<112xi32, #tpu.memory_space<vmem>>) semaphore(%run_scoped3A : memref<!tpu.dma_semaphore, #tpu.memory_space<semaphore_mem>>) {add = true}
      %dma_wait3A_196 = arith.constant 9744 : i32
      %dma_wait3A_197 = tpu.memref_slice %arg7[%dma_wait3A_196] : memref<10000xi32, #tpu.memory_space<vmem>> -> memref<112xi32, #tpu.memory_space<vmem>>
      %dma_wait3A_198 = arith.constant 0 : i32
      %dma_wait3A_199 = arith.constant 0 : i32
      %dma_wait3A_200 = tpu.memref_slice %arg10[%dma_wait3A_198, %dma_wait3A_199] : memref<10112x128xf32, #tpu.memory_space<vmem_shared>> -> memref<10112x128xf32, #tpu.memory_space<vmem_shared>>
      tpu.wait_indirect_dma semaphore(%run_scoped3A : memref<!tpu.dma_semaphore, #tpu.memory_space<semaphore_mem>>) src(%arg9 : memref<112x128xf32, #tpu.memory_space<vmem>>) dst(%dma_wait3A_200 : memref<10112x128xf32, #tpu.memory_space<vmem_shared>>)
      tpu.yield
    }) : () -> ()
    %dma_start3A_165 = arith.constant 0 : i32
    %dma_start3A_166 = arith.constant 0 : i32
    %dma_start3A_167 = tpu.memref_slice %arg9[%dma_start3A_165, %dma_start3A_166] : memref<112x128xf32, #tpu.memory_space<vmem>> -> memref<32x128xf32, #tpu.memory_space<vmem>>
    %dma_start3A_168 = arith.constant 9968 : i32
    %dma_start3A_169 = tpu.memref_slice %arg6[%dma_start3A_168] : memref<10000xi32, #tpu.memory_space<vmem>> -> memref<32xi32, #tpu.memory_space<vmem>>
    %dma_start3A_170 = arith.constant 0 : i32
    %dma_start3A_171 = arith.constant 0 : i32
    %dma_start3A_172 = tpu.memref_slice %arg2[%dma_start3A_170, %dma_start3A_171] : memref<10000x128xf32, #tpu.memory_space<hbm>> -> memref<10000x128xf32, #tpu.memory_space<hbm>>
    tpu.enqueue_indirect_dma source(%dma_start3A_172 : memref<10000x128xf32, #tpu.memory_space<hbm>>) target(%dma_start3A_167 : memref<32x128xf32, #tpu.memory_space<vmem>>) offsets(%dma_start3A_169 : memref<32xi32, #tpu.memory_space<vmem>>) semaphore(%arg12 : memref<!tpu.dma_semaphore, #tpu.memory_space<semaphore_mem>>)
    %dma_wait3A_173 = arith.constant 9856 : i32
    %dma_wait3A_174 = tpu.memref_slice %arg6[%dma_wait3A_173] : memref<10000xi32, #tpu.memory_space<vmem>> -> memref<112xi32, #tpu.memory_space<vmem>>
    %dma_wait3A_175 = arith.constant 0 : i32
    %dma_wait3A_176 = arith.constant 0 : i32
    %dma_wait3A_177 = tpu.memref_slice %arg2[%dma_wait3A_175, %dma_wait3A_176] : memref<10000x128xf32, #tpu.memory_space<hbm>> -> memref<10000x128xf32, #tpu.memory_space<hbm>>
    tpu.wait_indirect_dma semaphore(%arg11 : memref<!tpu.dma_semaphore, #tpu.memory_space<semaphore_mem>>) src(%dma_wait3A_177 : memref<10000x128xf32, #tpu.memory_space<hbm>>) dst(%arg8 : memref<112x128xf32, #tpu.memory_space<vmem>>)
    "tpu.region"() ({
      %run_scoped3A = tpu.sem_alloc : memref<!tpu.dma_semaphore, #tpu.memory_space<semaphore_mem>>
      %dma_start3A_191 = arith.constant 9856 : i32
      %dma_start3A_192 = tpu.memref_slice %arg7[%dma_start3A_191] : memref<10000xi32, #tpu.memory_space<vmem>> -> memref<112xi32, #tpu.memory_space<vmem>>
      %dma_start3A_193 = arith.constant 0 : i32
      %dma_start3A_194 = arith.constant 0 : i32
      %dma_start3A_195 = tpu.memref_slice %arg10[%dma_start3A_193, %dma_start3A_194] : memref<10112x128xf32, #tpu.memory_space<vmem_shared>> -> memref<10112x128xf32, #tpu.memory_space<vmem_shared>>
      tpu.enqueue_indirect_dma source(%arg8 : memref<112x128xf32, #tpu.memory_space<vmem>>) target(%dma_start3A_195 : memref<10112x128xf32, #tpu.memory_space<vmem_shared>>) offsets(%dma_start3A_192 : memref<112xi32, #tpu.memory_space<vmem>>) semaphore(%run_scoped3A : memref<!tpu.dma_semaphore, #tpu.memory_space<semaphore_mem>>) {add = true}
      %dma_wait3A_196 = arith.constant 9856 : i32
      %dma_wait3A_197 = tpu.memref_slice %arg7[%dma_wait3A_196] : memref<10000xi32, #tpu.memory_space<vmem>> -> memref<112xi32, #tpu.memory_space<vmem>>
      %dma_wait3A_198 = arith.constant 0 : i32
      %dma_wait3A_199 = arith.constant 0 : i32
      %dma_wait3A_200 = tpu.memref_slice %arg10[%dma_wait3A_198, %dma_wait3A_199] : memref<10112x128xf32, #tpu.memory_space<vmem_shared>> -> memref<10112x128xf32, #tpu.memory_space<vmem_shared>>
      tpu.wait_indirect_dma semaphore(%run_scoped3A : memref<!tpu.dma_semaphore, #tpu.memory_space<semaphore_mem>>) src(%arg8 : memref<112x128xf32, #tpu.memory_space<vmem>>) dst(%dma_wait3A_200 : memref<10112x128xf32, #tpu.memory_space<vmem_shared>>)
      tpu.yield
    }) : () -> ()
    %dma_wait3A_178 = arith.constant 0 : i32
    %dma_wait3A_179 = arith.constant 0 : i32
    %dma_wait3A_180 = tpu.memref_slice %arg9[%dma_wait3A_178, %dma_wait3A_179] : memref<112x128xf32, #tpu.memory_space<vmem>> -> memref<32x128xf32, #tpu.memory_space<vmem>>
    %dma_wait3A_181 = arith.constant 9968 : i32
    %dma_wait3A_182 = tpu.memref_slice %arg6[%dma_wait3A_181] : memref<10000xi32, #tpu.memory_space<vmem>> -> memref<32xi32, #tpu.memory_space<vmem>>
    %dma_wait3A_183 = arith.constant 0 : i32
    %dma_wait3A_184 = arith.constant 0 : i32
    %dma_wait3A_185 = tpu.memref_slice %arg2[%dma_wait3A_183, %dma_wait3A_184] : memref<10000x128xf32, #tpu.memory_space<hbm>> -> memref<10000x128xf32, #tpu.memory_space<hbm>>
    tpu.wait_indirect_dma semaphore(%arg12 : memref<!tpu.dma_semaphore, #tpu.memory_space<semaphore_mem>>) src(%dma_wait3A_185 : memref<10000x128xf32, #tpu.memory_space<hbm>>) dst(%dma_wait3A_180 : memref<32x128xf32, #tpu.memory_space<vmem>>)
    "tpu.region"() ({
      %run_scoped3A = tpu.sem_alloc : memref<!tpu.dma_semaphore, #tpu.memory_space<semaphore_mem>>
      %dma_start3A_191 = arith.constant 0 : i32
      %dma_start3A_192 = arith.constant 0 : i32
      %dma_start3A_193 = tpu.memref_slice %arg9[%dma_start3A_191, %dma_start3A_192] : memref<112x128xf32, #tpu.memory_space<vmem>> -> memref<32x128xf32, #tpu.memory_space<vmem>>
      %dma_start3A_194 = arith.constant 9968 : i32
      %dma_start3A_195 = tpu.memref_slice %arg7[%dma_start3A_194] : memref<10000xi32, #tpu.memory_space<vmem>> -> memref<32xi32, #tpu.memory_space<vmem>>
      %dma_start3A_196 = arith.constant 0 : i32
      %dma_start3A_197 = arith.constant 0 : i32
      %dma_start3A_198 = tpu.memref_slice %arg10[%dma_start3A_196, %dma_start3A_197] : memref<10112x128xf32, #tpu.memory_space<vmem_shared>> -> memref<10112x128xf32, #tpu.memory_space<vmem_shared>>
      tpu.enqueue_indirect_dma source(%dma_start3A_193 : memref<32x128xf32, #tpu.memory_space<vmem>>) target(%dma_start3A_198 : memref<10112x128xf32, #tpu.memory_space<vmem_shared>>) offsets(%dma_start3A_195 : memref<32xi32, #tpu.memory_space<vmem>>) semaphore(%run_scoped3A : memref<!tpu.dma_semaphore, #tpu.memory_space<semaphore_mem>>) {add = true}
      %dma_wait3A_199 = arith.constant 0 : i32
      %dma_wait3A_200 = arith.constant 0 : i32
      %dma_wait3A_201 = tpu.memref_slice %arg9[%dma_wait3A_199, %dma_wait3A_200] : memref<112x128xf32, #tpu.memory_space<vmem>> -> memref<32x128xf32, #tpu.memory_space<vmem>>
      %dma_wait3A_202 = arith.constant 9968 : i32
      %dma_wait3A_203 = tpu.memref_slice %arg7[%dma_wait3A_202] : memref<10000xi32, #tpu.memory_space<vmem>> -> memref<32xi32, #tpu.memory_space<vmem>>
      %dma_wait3A_204 = arith.constant 0 : i32
      %dma_wait3A_205 = arith.constant 0 : i32
      %dma_wait3A_206 = tpu.memref_slice %arg10[%dma_wait3A_204, %dma_wait3A_205] : memref<10112x128xf32, #tpu.memory_space<vmem_shared>> -> memref<10112x128xf32, #tpu.memory_space<vmem_shared>>
      tpu.wait_indirect_dma semaphore(%run_scoped3A : memref<!tpu.dma_semaphore, #tpu.memory_space<semaphore_mem>>) src(%dma_wait3A_201 : memref<32x128xf32, #tpu.memory_space<vmem>>) dst(%dma_wait3A_206 : memref<10112x128xf32, #tpu.memory_space<vmem_shared>>)
      tpu.yield
    }) : () -> ()
    %barrier3A_186 = arith.constant 0 : index
    tpu.barrier barrier_id(%barrier3A_186)
    %mul3A_187 = arith.constant 632 : i32
    %mul3A_188 = arith.muli %arg1, %mul3A_187 : i32
    %mul3A_189 = arith.constant 632 : i32
    %mul3A_190 = arith.muli %arg1, %mul3A_189 : i32
    "tpu.region"() ({
      %run_scoped3A = tpu.sem_alloc : memref<!tpu.dma_semaphore, #tpu.memory_space<semaphore_mem>>
      %dma_start3A_191 = arith.constant 0 : i32
      %dma_start3A_192 = tpu.memref_slice %arg5[%arg0, %mul3A_190, %dma_start3A_191] : memref<2x10112x128xf32, #tpu.memory_space<hbm>> -> memref<1x632x128xf32, #tpu.memory_space<hbm>>
      %dma_start3A_193 = tpu.memref_squeeze %dma_start3A_192 : memref<1x632x128xf32, #tpu.memory_space<hbm>> -> memref<632x128xf32, #tpu.memory_space<hbm>>
      %dma_start3A_194 = arith.constant 0 : i32
      %dma_start3A_195 = tpu.memref_slice %arg10[%mul3A_188, %dma_start3A_194] : memref<10112x128xf32, #tpu.memory_space<vmem_shared>> -> memref<632x128xf32, #tpu.memory_space<vmem_shared>>
      tpu.enqueue_dma source(%dma_start3A_195 : memref<632x128xf32, #tpu.memory_space<vmem_shared>>) target(%dma_start3A_193 : memref<632x128xf32, #tpu.memory_space<hbm>>) target_semaphore(%run_scoped3A : memref<!tpu.dma_semaphore, #tpu.memory_space<semaphore_mem>>)
      %dma_wait3A_196 = arith.constant 0 : i32
      %dma_wait3A_197 = tpu.memref_slice %arg5[%arg0, %mul3A_190, %dma_wait3A_196] : memref<2x10112x128xf32, #tpu.memory_space<hbm>> -> memref<1x632x128xf32, #tpu.memory_space<hbm>>
      %dma_wait3A_198 = tpu.memref_squeeze %dma_wait3A_197 : memref<1x632x128xf32, #tpu.memory_space<hbm>> -> memref<632x128xf32, #tpu.memory_space<hbm>>
      %dma_wait3A_199 = arith.constant 0 : i32
      %dma_wait3A_200 = tpu.memref_slice %arg10[%mul3A_188, %dma_wait3A_199] : memref<10112x128xf32, #tpu.memory_space<vmem_shared>> -> memref<632x128xf32, #tpu.memory_space<vmem_shared>>
      tpu.wait_dma2 semaphore(%run_scoped3A : memref<!tpu.dma_semaphore, #tpu.memory_space<semaphore_mem>>) src(%dma_wait3A_200 : memref<632x128xf32, #tpu.memory_space<vmem_shared>>) dst(%dma_wait3A_198 : memref<632x128xf32, #tpu.memory_space<hbm>>)
      tpu.yield
    }) : () -> ()
    return
  }
}

module attributes {stable_mosaic.version = 14 : i64} {
  func.func @body(%arg0: memref<2x10112x128xf32, #tpu.memory_space<vmem>>, %arg1: memref<128x128xf32, #tpu.memory_space<vmem>>, %arg2: memref<10000x128xf32, #tpu.memory_space<vmem>>, %arg3: memref<1x128xf32, #tpu.memory_space<vmem>>, %arg4: memref<1x128xf32, #tpu.memory_space<vmem>>, %arg5: memref<10000x128xf32, #tpu.memory_space<vmem>>) attributes {dimension_semantics = [], scalar_prefetch = 0 : i64, scratch_operands = 0 : i64, tpu.core_type = #tpu.core_type<tc>} {
    %get3A = arith.constant 0 : index
    %get3A_0 = arith.constant 0 : index
    %get3A_1 = arith.constant 0 : index
    %get3A_2 = vector.load %arg0[%get3A, %get3A_0, %get3A_1] : memref<2x10112x128xf32, #tpu.memory_space<vmem>>, vector<1x10000x128xf32>
    %get3A_3 = vector.shape_cast %get3A_2 : vector<1x10000x128xf32> to vector<10000x128xf32>
    %get3A_4 = arith.constant 1 : index
    %get3A_5 = arith.constant 0 : index
    %get3A_6 = arith.constant 0 : index
    %get3A_7 = vector.load %arg0[%get3A_4, %get3A_5, %get3A_6] : memref<2x10112x128xf32, #tpu.memory_space<vmem>>, vector<1x10000x128xf32>
    %get3A_8 = vector.shape_cast %get3A_7 : vector<1x10000x128xf32> to vector<10000x128xf32>
    %add3A = arith.addf %get3A_3, %get3A_8 : vector<10000x128xf32>
    %get3A_9 = arith.constant 0 : index
    %get3A_10 = arith.constant 0 : index
    %get3A_11 = vector.load %arg1[%get3A_9, %get3A_10] : memref<128x128xf32, #tpu.memory_space<vmem>>, vector<128x128xf32>
    %dot_general3A = arith.constant dense<0.000000e+00> : vector<10000x128xf32>
    %dot_general3A_12 = tpu.matmul %add3A, %get3A_11, %dot_general3A {dimension_numbers = #tpu.dot_dimension_numbers<[1], [0], [0], [1], [0, 0, 1, 1], [], []>, transpose_lhs_hint = false} : vector<10000x128xf32>, vector<128x128xf32>, vector<10000x128xf32> -> vector<10000x128xf32>
    %reduce_sum3A = arith.constant dense<0.000000e+00> : vector<128xf32>
    %reduce_sum3A_13 = vector.multi_reduction <add>, %dot_general3A_12, %reduce_sum3A [0] : vector<10000x128xf32> to vector<128xf32>
    %broadcast_in_dim3A = vector.shape_cast %reduce_sum3A_13 : vector<128xf32> to vector<1x128xf32>
    %div3A = arith.constant 1.000000e+04 : f32
    %div3A_14 = vector.broadcast %div3A : f32 to vector<1x128xf32>
    %div3A_15 = arith.divf %broadcast_in_dim3A, %div3A_14 : vector<1x128xf32>
    %mul3A = arith.mulf %dot_general3A_12, %dot_general3A_12 : vector<10000x128xf32>
    %reduce_sum3A_16 = arith.constant dense<0.000000e+00> : vector<128xf32>
    %reduce_sum3A_17 = vector.multi_reduction <add>, %mul3A, %reduce_sum3A_16 [0] : vector<10000x128xf32> to vector<128xf32>
    %broadcast_in_dim3A_18 = vector.shape_cast %reduce_sum3A_17 : vector<128xf32> to vector<1x128xf32>
    %div3A_19 = arith.constant 1.000000e+04 : f32
    %div3A_20 = vector.broadcast %div3A_19 : f32 to vector<1x128xf32>
    %div3A_21 = arith.divf %broadcast_in_dim3A_18, %div3A_20 : vector<1x128xf32>
    %mul3A_22 = arith.mulf %div3A_15, %div3A_15 : vector<1x128xf32>
    %sub3A = arith.subf %div3A_21, %mul3A_22 : vector<1x128xf32>
    %sub3A_23 = vector.broadcast %div3A_15 : vector<1x128xf32> to vector<10000x128xf32>
    %sub3A_24 = arith.subf %dot_general3A_12, %sub3A_23 : vector<10000x128xf32>
    %add3A_25 = arith.constant 9.99999974E-6 : f32
    %add3A_26 = vector.broadcast %add3A_25 : f32 to vector<1x128xf32>
    %add3A_27 = arith.addf %sub3A, %add3A_26 : vector<1x128xf32>
    %rsqrt3A = math.rsqrt %add3A_27 : vector<1x128xf32>
    %get3A_28 = arith.constant 0 : index
    %get3A_29 = arith.constant 0 : index
    %get3A_30 = vector.load %arg3[%get3A_28, %get3A_29] : memref<1x128xf32, #tpu.memory_space<vmem>>, vector<1x128xf32>
    %mul3A_31 = arith.mulf %rsqrt3A, %get3A_30 : vector<1x128xf32>
    %mul3A_32 = vector.broadcast %mul3A_31 : vector<1x128xf32> to vector<10000x128xf32>
    %mul3A_33 = arith.mulf %sub3A_24, %mul3A_32 : vector<10000x128xf32>
    %get3A_34 = arith.constant 0 : index
    %get3A_35 = arith.constant 0 : index
    %get3A_36 = vector.load %arg4[%get3A_34, %get3A_35] : memref<1x128xf32, #tpu.memory_space<vmem>>, vector<1x128xf32>
    %add3A_37 = vector.broadcast %get3A_36 : vector<1x128xf32> to vector<10000x128xf32>
    %add3A_38 = arith.addf %mul3A_33, %add3A_37 : vector<10000x128xf32>
    %max3A = arith.constant 0.000000e+00 : f32
    %max3A_39 = vector.broadcast %max3A : f32 to vector<10000x128xf32>
    %max3A_40 = arith.maximumf %add3A_38, %max3A_39 : vector<10000x128xf32>
    %get3A_41 = arith.constant 0 : index
    %get3A_42 = arith.constant 0 : index
    %get3A_43 = vector.load %arg2[%get3A_41, %get3A_42] : memref<10000x128xf32, #tpu.memory_space<vmem>>, vector<10000x128xf32>
    %add3A_44 = arith.addf %max3A_40, %get3A_43 : vector<10000x128xf32>
    %swap3A = arith.constant 0 : index
    %swap3A_45 = arith.constant 0 : index
    %swap3A_46 = vector.load %arg5[%swap3A, %swap3A_45] : memref<10000x128xf32, #tpu.memory_space<vmem>>, vector<10000x128xf32>
    tpu.vector_store %arg5[%swap3A, %swap3A_45], %add3A_44 {strides = array<i32>} : memref<10000x128xf32, #tpu.memory_space<vmem>>, vector<10000x128xf32>,
    return
  }
}

</mosaic_0001>

<sc_bundles>
// kernel: kernel.4.cloned.1.call-start
scs
__scs_entry_jumppad:
0x0: {  	(pc) =	sbr.rel $0x88, $3  }
0x1: {  	(tag) =	ssettag $0x0;
	lr =	simm.s32 $0x1  }
0x2: {  	[smem:$0x3F9C] =	sst lr;
	_ =	strace $0xD0000000  }
0x3: {  	_ = 	snop  }
0x4: {  	_ = 	snop  }
0x5: {  	_ = 	snop  }
0x6: {  	_ = 	snop  }
0x7: {  	_ = 	snop  }
__scs_overlays_trampoline_lowered:
0x8: {  	[smem:$0x3FAB] =	sst s0  }
0x9: {  	[smem:$0x3FAC] =	sst s1  }
0xa: {  	[smem:$0x3FAD] =	sst s2  }
0xb: {  	[smem:$0x3FAE] =	sst s3  }
0xc: {  	[smem:$0x3FAF] =	sst s4  }
0xd: {  	[smem:$0x3FB0] =	sst s5  }
0xe: {  	[smem:$0x3FB1] =	sst s6  }
0xf: {  	[smem:$0x3FB2] =	sst s7  }
0x10: {  	[smem:$0x3FB3] =	sst s8  }
0x11: {  	[smem:$0x3FB4] =	sst s9;
	s0 =	simm.s32 @!p0 $0x0  }
0x12: {  	s1 =	sld [smem:$0x3F9A];
	s0 =	simm.s32 @p0 $0x1  }
0x13: {  	[smem:$0x3FB5] =	sst s0;
	s0 =	simm.s32 @!p1 $0x0  }
0x14: {  	s2 =	sld [smem:$0x3F99];
	s0 =	simm.s32 @p1 $0x1  }
0x15: {  	[smem:$0x3FB6] =	sst s0;
	s0 =	simm.s32 @!p2 $0x0  }
0x16: {  	s3 =	sld [smem:$0x3FDB];
	s0 =	simm.s32 @p2 $0x1  }
0x17: {  	s4 =	simm.s32 $0x1BF5;
	[smem:$0x3FB8] =	sst s0  }
0x18: {  	s0 =	sld [smem:$0x3F9B];
	_ =	swait.ge [sflag:s4], $0x0  }
0x19: {  	s7 =	sld [smem:$0x3F9C]  }
0x1a: {  	s8 =	sadd.s32 $0xFFFFE003, lr  }
0x1b: {  	s9 =	sadd.s32 $0xFFFFFEF7, lr;
	s5 =	simm.s32 $0xFFFFFFFF;
	p2 =	slt.u32 s8, $0xFFFFF086  }
0x1c: {  	p1 =	slt.u32 s9, $0xF7A;
	s5 =	simm.s32 @!p2 $0x0  }
0x1d: {  	s5 =	simm.s32 @p1 $0x1;
	p0 =	seq.s32 s7, s2  }
0x1e: {  	s7 =	smul.u32 @!p0 $0xF7A, s2;
	p2 =	seq.s32 @!p0 s5, $0x0  }
0x1f: {  	s9 =	smul.u32 $0xF7A, s1;
	s8 =	simm.s32 @!p0 $0x1BF5;
	p2 =	por !p2, p0  }
0x20: {  	[sflag:s8] =	ssyncset.s32 @!p0 $0xFFFFF086;
	s6 =	sadd.s32 @!p0 s3, s7;
	s7 =	simm.s32 @!p0 $0x108  }
0x21: {  	s3 =	sadd.s32 s3, s9;
	s6 =	sadd.s32 @!p0 $0x88, s6;
	s7 =	simm.s32 @p2 $0x1082  }
0x22: {  	[simem:s7], [sflag:s8] =	dma.local @!p0 [hbm:s6], $0xF7A  }
0x23: {  	s9 =	sor.u32 $0xD0000000, s2;
	s6 =	simm.s32 $0x108;
	_ =	swait.ge @!p0 [sflag:s8], $0x0  }
0x24: {  	s3 =	sadd.s32 $0x88, s3;
	s6 =	simm.s32 @!p1 $0x1082;
	[sflag:s4] =	ssyncset.s32 $0xFFFFF086  }
0x25: {  	[simem:s6], [sflag:s4] =	dma.local [hbm:s3], $0xF7A  }
0x26: {  	[smem:$0x3F9C] =	sst s1;
	(tag) =	ssettag s2;
	_ =	strace s9  }
0x27: {  	s1 =	sld [smem:$0x3FAC]  }
0x28: {  	s2 =	sld [smem:$0x3FAD]  }
0x29: {  	s4 =	sld [smem:$0x3FAF]  }
0x2a: {  	p0 =	seq.s32 s5, $0x0;
	s5 =	sld [smem:$0x3FB0]  }
0x2b: {  	s6 =	sld [smem:$0x3FB1]  }
0x2c: {  	s7 =	sld [smem:$0x3FB2]  }
0x2d: {  	s3 =	simm.s32 $0x108;
	s8 =	sld [smem:$0x3FB3]  }
0x2e: {  	s3 =	simm.s32 @!p0 $0x1082;
	s9 =	sld [smem:$0x3FB4]  }
0x2f: {  	lr =	sadd.s32 s0, s3;
	s0 =	sld [smem:$0x3FAB]  }
0x30: {  	s3 =	sld [smem:$0x3FAE]  }
0x31: {  	[smem:$0x3FB7] =	sst s10  }
0x32: {  	s10 =	sld [smem:$0x3FB5];
	_ =	sdelay $0x3  }
0x33: {  	p0 =	seq.s32 s10, $0x1;
	s10 =	sld [smem:$0x3FB7];
	_ =	sdelay $0x3  }
0x34: {  	[smem:$0x3FB7] =	sst s10  }
0x35: {  	s10 =	sld [smem:$0x3FB6];
	_ =	sdelay $0x3  }
0x36: {  	p1 =	seq.s32 s10, $0x1;
	s10 =	sld [smem:$0x3FB7];
	_ =	sdelay $0x3  }
0x37: {  	[smem:$0x3FB7] =	sst s10  }
0x38: {  	s10 =	sld [smem:$0x3FB8]  }
0x39: {  	_ = 	snop;
	(pc) =	sbr.ind lr, $3  }
0x3a: {  	_ = 	snop  }
0x3b: {  	_ = 	snop  }
0x3c: {  	p2 =	seq.s32 s10, $0x1;
	s10 =	sld [smem:$0x3FB7]  }
0x3d: {  	_ =	shalt  }
0x3e: {  	_ =	shalt  }
0x3f: {  	_ =	shalt  }
0x40: {  	_ =	shalt  }
0x41: {  	_ =	shalt  }
0x42: {  	_ =	shalt  }
0x43: {  	_ =	shalt  }
0x44: {  	_ =	shalt  }
0x45: {  	_ =	shalt  }
0x46: {  	_ =	shalt  }
0x47: {  	_ =	shalt  }
0x48: {  	_ =	shalt  }
0x49: {  	_ =	shalt  }
0x4a: {  	_ =	shalt  }
0x4b: {  	_ =	shalt  }
0x4c: {  	_ =	shalt  }
0x4d: {  	_ =	shalt  }
0x4e: {  	_ =	shalt  }
0x4f: {  	_ =	shalt  }
0x50: {  	_ =	shalt  }
0x51: {  	_ =	shalt  }
0x52: {  	_ =	shalt  }
0x53: {  	_ =	shalt  }
0x54: {  	_ =	shalt  }
0x55: {  	_ =	shalt  }
0x56: {  	_ =	shalt  }
0x57: {  	_ =	shalt  }
0x58: {  	_ =	shalt  }
0x59: {  	_ =	shalt  }
0x5a: {  	_ =	shalt  }
0x5b: {  	_ =	shalt  }
0x5c: {  	_ =	shalt  }
0x5d: {  	_ =	shalt  }
0x5e: {  	_ =	shalt  }
0x5f: {  	_ =	shalt  }
0x60: {  	_ =	shalt  }
0x61: {  	_ =	shalt  }
0x62: {  	_ =	shalt  }
0x63: {  	_ =	shalt  }
0x64: {  	_ =	shalt  }
0x65: {  	_ =	shalt  }
0x66: {  	_ =	shalt  }
0x67: {  	_ =	shalt  }
0x68: {  	_ =	shalt  }
0x69: {  	_ =	shalt  }
0x6a: {  	_ =	shalt  }
0x6b: {  	_ =	shalt  }
0x6c: {  	_ =	shalt  }
0x6d: {  	_ =	shalt  }
0x6e: {  	_ =	shalt  }
0x6f: {  	_ =	shalt  }
0x70: {  	_ =	shalt  }
0x71: {  	_ =	shalt  }
0x72: {  	_ =	shalt  }
0x73: {  	_ =	shalt  }
0x74: {  	_ =	shalt  }
0x75: {  	_ =	shalt  }
0x76: {  	_ =	shalt  }
0x77: {  	_ =	shalt  }
0x78: {  	_ =	shalt  }
0x79: {  	_ =	shalt  }
0x7a: {  	_ =	shalt  }
0x7b: {  	_ =	shalt  }
0x7c: {  	_ =	shalt  }
0x7d: {  	_ =	shalt  }
0x7e: {  	_ =	shalt  }
0x7f: {  	_ =	shalt  }
0x80: {  	_ =	shalt  }
0x81: {  	_ =	shalt  }
0x82: {  	_ =	shalt  }
0x83: {  	_ =	shalt  }
0x84: {  	_ =	shalt  }
0x85: {  	_ =	shalt  }
0x86: {  	_ =	shalt  }
0x87: {  	_ =	shalt  }
.Lfunc_end0:
.L_simem_size_0:
called_computation_lowered:
.L_overlay_start_0:
0x88: {  	s2 =	sld [smem:$0x3FD9]  }
0x89: {  	s3 =	sld [smem:$0x3FFE];
	_ =	sdelay $0x1  }
0x8a: {  	s1 =	srdreg.scid  }
0x8b: {  	s0 =	sand.u32 $0x1, s1  }
0x8c: {  	s17 =	sshll.u32 s0, $0xA;
	s2 =	sadd.s32 s3, s2  }
0x8d: {  	s2 =	sadd.s32 s2, s17  }
0x8e: {  	[smem:$0x3FC3] =	sst s2  }
0x8f: {  	_ = 	snop  }
0x90: {  	s2 =	sld [smem:$0x3FC9]  }
0x91: {  	s18 =	sld [smem:$0x3FD0];
	(tm) =	ssettm $0x1  }
0x92: {  	s4 =	sld [smem:$0x3FFB];
	_ =	sdelay $0x3  }
0x93: {  	_ =	strace s4  }
0x94: {  	s4 =	sld [smem:$0x3FFC];
	_ =	sdelay $0x3  }
0x95: {  	_ =	strace s4  }
0x96: {  	s4 =	sld [smem:$0x3FFD];
	_ =	sdelay $0x3  }
0x97: {  	_ =	strace s4  }
0x98: {  	_ =	strace $0x8FFFFFFF  }
0x99: {  	s19 =	sld [smem:$0x3FDB];
	_ =	sdelay $0x1  }
0x9a: {  	s5 =	simm.s32 $_scs_section_size  }
0x9b: {  	s6 =	simm.s32 $_size__tile_overlayer_lowered;
	s7 =	simm.s32 $_tile_overlayer_lowered  }
0x9c: {  	s22 =	simm.s32 $0x1BFF;
	s21 =	sshll.u32 s7, $0x1;
	s4 =	sadd.s32 s5, s19  }
0x9d: {  	s8 =	simm.s32 $0x0;
	s20 =	sshll.u32 s6, $0x1;
	s6 =	sadd.s32 s21, s4  }
0x9e: {  	[timem:s8], [sflag:s22] =	dma.local [hbm:s6], s20  }
0x9f: {  	_ =	swait.ge [sflag:s22], s20  }
0xa0: {  	s5 =	ssub.s32 $0x0, s20;
	[sflag:s22] =	ssyncset.done $0x0  }
0xa1: {  	[sflag:s22] =	ssyncadd.s32 s5;
	_ =	sdelay $0x1  }
0xa2: {  	s23 =	simm.s32 $0x1B8B  }
0xa3: {  	_ =	swait.ge [sflag:s23], $0x1  }
0xa4: {  	[sflag:s23] =	ssyncset.done $0x0  }
0xa5: {  	s25 =	simm.s32 $0x1B8E;
	s24 =	sld [smem:$0x3FFE];
	[sflag:s23] =	ssyncadd.s32 $0xFFFFFFFF  }
0xa6: {  	s26 =	simm.s32 $execute0_lowered;
	[smem:$0x3FD2] =	sst s25  }
0xa7: {  	s6 =	sshll.u32 s26, $0x1;
	_ =	strace $0x80000046;
	[dreg:$0x1] =	wrdreg $0xFFFFFFFF  }
0xa8: {  	s28 =	simm.s32 $_size_execute0_lowered;
	s4 =	sadd.s32 s4, s6;
	[dreg:$0x0] =	wrdreg $0x0  }
0xa9: {  	s6 =	sshll.u32 s28, $0x1;
	[dreg:$0x2] =	wrdreg s4  }
0xaa: {  	[dreg:$0x3] =	wrdreg s6  }
0xab: {  	[dreg:$0x4] =	wrdreg $0xC0  }
0xac: {  	_ =	task [dreg:s8], $0x5FFFF  }
0xad: {  	[dreg:$0x1] =	wrdreg $0xFFFFFFFF  }
0xae: {  	[dreg:$0x0] =	wrdreg $0x60  }
0xaf: {  	[dreg:$0x2] =	wrdreg s2  }
0xb0: {  	[dreg:$0x3] =	wrdreg s24  }
0xb1: {  	[dreg:$0x4] =	wrdreg s18  }
0xb2: {  	[dreg:$0x5] =	wrdreg $0xBE200  }
0xb3: {  	[dreg:$0x6] =	wrdreg $0x9  }
0xb4: {  	_ =	task.clear_ibuf [dreg:s8], $0x7FFFF;
	_ =	strace $0x90000046  }
0xb5: {  	s29 =	simm.s32 $0x9;
	_ =	strace $0x80000048  }
0xb6: {  	_ =	swait.ge [sflag:s29], $0x1  }
0xb7: {  	[sflag:s29] =	ssyncadd.s32 $0xFFFFFFFF  }
0xb8: {  	_ =	strace $0x90000048  }
0xb9: {  	_ =	sfence  }
0xba: {  	s30 =	sld [smem:$0x0];
	_ =	sdelay $0x2  }
0xbb: {  	s31 =	sshll.u32 s1, $0xD;
	s1 =	sshrl.u32 s1, $0x2  }
0xbc: {  	s3 =	sand.u32 $0x4000, s31;
	s1 =	sadd.s32 s1, s30  }
0xbd: {  	s0 =	sor.u32 s3, s0;
	s1 =	sshll.u32 s1, $0x11  }
0xbe: {  	s0 =	sor.u32 s1, s0  }
0xbf: {  	s0 =	sadd.s32 $0x8F2B, s0  }
0xc0: {  	[sflag:s0] =	ssyncadd.remote.s32 $0x1  }
0xc1: {  	_ =	sfence.sel $0xFFFF  }
0xc2: {  	[dreg:$0x0] =	wrdreg $0xFFFFFFFF;
	(pc) =	sbr.abs _section_cstart, $3  }
0xc3: {  	[dreg:$0x1] =	wrdreg $0xFFFFFFFF  }
0xc4: {  	_ =	task.clear_ibuf [dreg:s8], $0x2FFFF;
	_ =	strace $0x9FFFFFFF  }
0xc5: {  	(tm) =	ssettm $0x7FFFFFFF  }
tec
execute0_lowered:
.L_overlay_start_1:
0x0: {  	(tag) =	ssettag $0x1  }
0x1: {  	s0 =	rddreg [dreg:$0x0]  }
0x2: {  	s1 =	rddreg [dreg:$0x1]  }
0x3: {  	s2 =	srdreg.scid;
	s6 =	rddreg [dreg:$0x2]  }
0x4: {  	s10 =	stileid.u32;
	s3 =	rddreg [dreg:$0x3]  }
0x5: {  	s4 =	simm.s32 $0x0;
	s16 =	simm.s32 $0x4E20;
	s17 =	simm.s32 $0x3  }
0x6: {  	s18 =	simm.s32 $0x1;
	s19 =	simm.s32 $0x2;
	s20 =	simm.s32 $0x70  }
0x7: {  	s21 =	simm.s32 $0x8620;
	s22 =	simm.s32 $0x4;
	s7 =	smul.u32 $0x2710, s10  }
0x8: {  	s28 =	simm.s32 $0x26F0;
	s2 =	sand.u32 $0x1, s2;
	s8 =	smul.u32 $0x13C00, s10  }
0x9: {  	s29 =	simm.s32 $0x4D90;
	s30 =	simm.s32 $0x4E00;
	s5 =	smul.u32 $0x27100, s2  }
0xa: {  	s31 =	simm.s32 $0x0;
	[smem:$0x7FF] =	sst s4;
	s23 =	smul.u32 $0x13C000, s2  }
0xb: {  	s25 =	smul.u32 $0x4F000, s10;
	_ =	strace $0x80000047;
	s2 =	ssub.s32 $0x2, s2  }
0xc: {  	s11 =	sshrl.u32 s2, $0x1;
	s5 =	sadd.s32 s7, s5;
	s24 =	sadd.s32 s8, s23  }
0xd: {  	s2 =	ssub.s32 s2, s11;
	s7 =	sshrl.u32 s25, $0x2;
	s23 =	simm.s32 $0x4CB0  }
0xe: {  	s25 =	simm.s32 $0x4D20;
	s9 =	sshrl.u32 s5, $0x3;
	s5 =	sshrl.u32 s24, $0x3  }
0xf: {  	s12 =	sadd.s32 s7, s3;
	s7 =	sadd.s32 s8, s3;
	s14 =	smax.u32 s2, $0x1  }
0x10: {  	s24 =	simm.s32 $0x2680;
	s26 =	sadd.s32 s9, s1;
	s1 =	sadd.s32 s5, s1  }
0x11: {  	s6 =	sadd.s32 s6, s9;
	s8 =	sadd.s32 $0x3800, s12;
	s9 =	sadd.s32 $0x7000, s12  }
0x12: {  	s10 =	sadd.s32 $0xA800, s12;
	s11 =	sadd.s32 $0xE000, s12;
	s12 =	sadd.s32 $0x11800, s12  }
0x13: {  	v0 =	vimm.f32 $0.0e+00;
	s5 =	sadd.s32 $0xC00, s26;
	s13 =	sadd.s32 $0xAA00, s1;
	s26 =	simm.s32 $0x20  }
.LBB2_1:
0x14: {  	[tilespmem:s4], [sflag:$0x1] =	stream.linear.gather [hbm4b:s5+s4], $0x2710, $0x38;
	[tilespmem:$0x1FA20] =	vst v63  }
0x15: {  	s1 =	simm.s32 $0x2710  }
0x16: {  	[tilespmem:s1], [sflag:$0x2] =	stream.linear.gather [hbm4b:s6+s4], $0x2710, $0x38;
	[tilespmem:$0x1FA20] =	vst v63  }
0x17: {  	s2 =	simm.s32 $0x0;
	s1 =	simm.s32 $0x200  }
.LBB2_2:
0x18: {  	p0 =	sne.s32 s1, $0xDE00;
	[tilespmem:s2+$0x4E90] =	vst v0  }
0x19: {  	[tilespmem:s2+$0x4E20] =	vst v0  }
0x1a: {  	[tilespmem:s2+$0x4E30] =	vst v0  }
.Ltmp0:
0x1b: {  	[tilespmem:s2+$0x4E40] =	vst v0;
	(pc) =	sbr.rel @p0 .LBB2_2-.Ltmp0, $4  }
0x1c: {  	[tilespmem:s2+$0x4E50] =	vst v0  }
0x1d: {  	[tilespmem:s2+$0x4E60] =	vst v0  }
0x1e: {  	[tilespmem:s2+$0x4E70] =	vst v0  }
0x1f: {  	[tilespmem:s2+$0x4E80] =	vst v0;
	s2 =	sshra.s32 s1, $0x2;
	s1 =	sadd.s32 $0x200, s1  }
0x20: {  	[tilespmem:s2+$0x4E90] =	vst v0  }
0x21: {  	[tilespmem:s2+$0x4E20] =	vst v0  }
0x22: {  	[tilespmem:s2+$0x4E30] =	vst v0  }
0x23: {  	[tilespmem:s2+$0x4E40] =	vst v0  }
0x24: {  	[tilespmem:s2+$0x4E50] =	vst v0  }
0x25: {  	[tilespmem:s2+$0x4E60] =	vst v0  }
0x26: {  	[tilespmem:s2+$0x4E70] =	vst v0  }
0x27: {  	[tilespmem:s2+$0x4E80] =	vst v0  }
0x28: {  	[spmem:s7] =	stream.linear.scatter [tilespmem:s16], [sflag:$0x3], $0x3800, $0x38;
	[tilespmem:$0x1FA20] =	vst v63  }
0x29: {  	_ = 	snop  }
0x2a: {  	[spmem:s8] =	stream.linear.scatter [tilespmem:s16], [sflag:$0x3], $0x3800, $0x38;
	[tilespmem:$0x1FA20] =	vst v63  }
0x2b: {  	_ = 	snop  }
0x2c: {  	[spmem:s9] =	stream.linear.scatter [tilespmem:s16], [sflag:$0x3], $0x3800, $0x38;
	[tilespmem:$0x1FA20] =	vst v63  }
0x2d: {  	_ = 	snop  }
0x2e: {  	[spmem:s10] =	stream.linear.scatter [tilespmem:s16], [sflag:$0x3], $0x3800, $0x38;
	[tilespmem:$0x1FA20] =	vst v63  }
0x2f: {  	_ = 	snop  }
0x30: {  	[spmem:s11] =	stream.linear.scatter [tilespmem:s16], [sflag:$0x3], $0x3800, $0x38;
	[tilespmem:$0x1FA20] =	vst v63  }
0x31: {  	_ = 	snop  }
0x32: {  	[spmem:s12] =	stream.linear.scatter [tilespmem:s16], [sflag:$0x3], $0x2400, $0x38;
	[tilespmem:$0x1FA20] =	vst v63  }
0x33: {  	_ =	swait.ge [sflag:s17], $0x3800  }
0x34: {  	[sflag:s17] =	ssyncset.done $0x0  }
0x35: {  	[sflag:s17] =	ssyncadd.s32 $0xFFFFC800  }
0x36: {  	_ =	swait.ge [sflag:s17], $0x3800  }
0x37: {  	[sflag:s17] =	ssyncset.done $0x0  }
0x38: {  	[sflag:s17] =	ssyncadd.s32 $0xFFFFC800  }
0x39: {  	_ =	swait.ge [sflag:s17], $0x3800  }
0x3a: {  	[sflag:s17] =	ssyncset.done $0x0  }
0x3b: {  	[sflag:s17] =	ssyncadd.s32 $0xFFFFC800  }
0x3c: {  	_ =	swait.ge [sflag:s17], $0x3800  }
0x3d: {  	[sflag:s17] =	ssyncset.done $0x0  }
0x3e: {  	[sflag:s17] =	ssyncadd.s32 $0xFFFFC800  }
0x3f: {  	_ =	swait.ge [sflag:s17], $0x3800  }
0x40: {  	[sflag:s17] =	ssyncset.done $0x0  }
0x41: {  	[sflag:s17] =	ssyncadd.s32 $0xFFFFC800  }
0x42: {  	_ =	swait.ge [sflag:s17], $0x2400  }
0x43: {  	[sflag:s17] =	ssyncset.done $0x0  }
0x44: {  	[sflag:s17] =	ssyncadd.s32 $0xFFFFDC00  }
0x45: {  	_ =	swait.ge [sflag:s18], $0x2710  }
0x46: {  	[sflag:s18] =	ssyncset.done $0x0  }
0x47: {  	[sflag:s18] =	ssyncadd.s32 $0xFFFFD8F0  }
0x48: {  	_ =	swait.ge [sflag:s19], $0x2710  }
0x49: {  	[sflag:s19] =	ssyncset.done $0x0  }
0x4a: {  	[sflag:s19] =	ssyncadd.s32 $0xFFFFD8F0  }
0x4b: {  	s1 =	simm.s32 $0x0;
	[bflag:$0x0] =	sbarrier.arrive $0xFFFF  }
0x4c: {  	[tilespmem:s16], [sflag:$0x1] =	stream.indirect.gather [hbm4b:s0+s20], $0x80, s1, s20, $0xb8;
	[tilespmem:$0x1FA20] =	vst v63  }
0x4d: {  	_ = 	snop  }
0x4e: {  	[tilespmem:s21], [sflag:$0x2] =	stream.indirect.gather [hbm4b:s0+s20], $0x80, s20, s20, $0xb8;
	[tilespmem:$0x1FA20] =	vst v63  }
0x4f: {  	_ =	swait.ge [sflag:s18], $0x3800  }
0x50: {  	[sflag:s18] =	ssyncset.done $0x0  }
0x51: {  	s15 =	simm.s32 $0x2710;
	[sflag:s18] =	ssyncadd.s32 $0xFFFFC800  }
0x52: {  	[spmem:s3] =	stream.indirect.scatter.add.f32 [tilespmem:s16], [sflag:$0x4], $0x80, s15, s20, $0xb8;
	[tilespmem:$0x1FA20] =	vst v63  }
0x53: {  	_ =	swait.ge [sflag:s22], $0x3800  }
0x54: {  	[sflag:s22] =	ssyncset.done $0x0  }
0x55: {  	s2 =	simm.s32 $0xE0;
	[sflag:s22] =	ssyncadd.s32 $0xFFFFC800  }
0x56: {  	[tilespmem:s16], [sflag:$0x1] =	stream.indirect.gather [hbm4b:s0+s20], $0x80, s2, s20, $0xb8;
	[tilespmem:$0x1FA20] =	vst v63  }
0x57: {  	_ =	swait.ge [sflag:s19], $0x3800  }
0x58: {  	[sflag:s19] =	ssyncset.done $0x0  }
0x59: {  	s15 =	simm.s32 $0x2780;
	[sflag:s19] =	ssyncadd.s32 $0xFFFFC800  }
0x5a: {  	[spmem:s3] =	stream.indirect.scatter.add.f32 [tilespmem:s21], [sflag:$0x4], $0x80, s15, s20, $0xb8;
	[tilespmem:$0x1FA20] =	vst v63  }
0x5b: {  	_ =	swait.ge [sflag:s22], $0x3800  }
0x5c: {  	[sflag:s22] =	ssyncset.done $0x0  }
0x5d: {  	s1 =	simm.s32 $0x150;
	s2 =	simm.s32 $0x380;
	[sflag:s22] =	ssyncadd.s32 $0xFFFFC800  }
.LBB2_4:
0x5e: {  	[tilespmem:s21], [sflag:$0x2] =	stream.indirect.gather [hbm4b:s0+s20], $0x80, s1, s20, $0xb8;
	[tilespmem:$0x1FA20] =	vst v63  }
0x5f: {  	s1 =	smov.u32 s2  }
0x60: {  	p0 =	sne.s32 s2, $0x9300;
	s2 =	sadd.s32 $0x380, s2;
	_ =	swait.ge [sflag:s18], $0x3800  }
0x61: {  	s1 =	sshra.s32 s1, $0x2;
	[sflag:s18] =	ssyncset.done $0x0  }
0x62: {  	s15 =	sadd.s32 $0x2710, s1;
	[sflag:s18] =	ssyncadd.s32 $0xFFFFC800  }
0x63: {  	[spmem:s3] =	stream.indirect.scatter.add.f32 [tilespmem:s16], [sflag:$0x4], $0x80, s15, s20, $0xb8;
	[tilespmem:$0x1FA20] =	vst v63  }
0x64: {  	_ =	swait.ge [sflag:s22], $0x3800  }
0x65: {  	[sflag:s22] =	ssyncset.done $0x0  }
0x66: {  	s15 =	sadd.s32 $0xE0, s1;
	[sflag:s22] =	ssyncadd.s32 $0xFFFFC800  }
0x67: {  	[tilespmem:s16], [sflag:$0x1] =	stream.indirect.gather [hbm4b:s0+s20], $0x80, s15, s20, $0xb8;
	[tilespmem:$0x1FA20] =	vst v63  }
0x68: {  	_ =	swait.ge [sflag:s19], $0x3800  }
0x69: {  	[sflag:s19] =	ssyncset.done $0x0  }
.Ltmp1:
0x6a: {  	s15 =	sadd.s32 $0x2780, s1;
	[sflag:s19] =	ssyncadd.s32 $0xFFFFC800;
	(pc) =	sbr.rel @p0 .LBB2_4-.Ltmp1, $4  }
0x6b: {  	[spmem:s3] =	stream.indirect.scatter.add.f32 [tilespmem:s21], [sflag:$0x4], $0x80, s15, s20, $0xb8;
	[tilespmem:$0x1FA20] =	vst v63  }
0x6c: {  	_ =	swait.ge [sflag:s22], $0x3800  }
0x6d: {  	[sflag:s22] =	ssyncset.done $0x0  }
0x6e: {  	s1 =	sadd.s32 $0x150, s1;
	[sflag:s22] =	ssyncadd.s32 $0xFFFFC800  }
0x6f: {  	[tilespmem:s21], [sflag:$0x2] =	stream.indirect.gather [hbm4b:s0+s20], $0x80, s1, s20, $0xb8;
	[tilespmem:$0x1FA20] =	vst v63  }
0x70: {  	_ =	swait.ge [sflag:s18], $0x3800  }
0x71: {  	[sflag:s18] =	ssyncset.done $0x0  }
0x72: {  	[sflag:s18] =	ssyncadd.s32 $0xFFFFC800  }
0x73: {  	[spmem:s3] =	stream.indirect.scatter.add.f32 [tilespmem:s16], [sflag:$0x4], $0x80, s23, s20, $0xb8;
	[tilespmem:$0x1FA20] =	vst v63  }
0x74: {  	_ =	swait.ge [sflag:s22], $0x3800  }
0x75: {  	[sflag:s22] =	ssyncset.done $0x0  }
0x76: {  	[sflag:s22] =	ssyncadd.s32 $0xFFFFC800  }
0x77: {  	[tilespmem:s16], [sflag:$0x1] =	stream.indirect.gather [hbm4b:s0+s20], $0x80, s24, s20, $0xb8;
	[tilespmem:$0x1FA20] =	vst v63  }
0x78: {  	_ =	swait.ge [sflag:s19], $0x3800  }
0x79: {  	[sflag:s19] =	ssyncset.done $0x0  }
0x7a: {  	[sflag:s19] =	ssyncadd.s32 $0xFFFFC800  }
0x7b: {  	[spmem:s3] =	stream.indirect.scatter.add.f32 [tilespmem:s21], [sflag:$0x4], $0x80, s25, s20, $0xb8;
	[tilespmem:$0x1FA20] =	vst v63  }
0x7c: {  	_ =	swait.ge [sflag:s22], $0x3800  }
0x7d: {  	[sflag:s22] =	ssyncset.done $0x0  }
0x7e: {  	[sflag:s22] =	ssyncadd.s32 $0xFFFFC800  }
0x7f: {  	[tilespmem:s21], [sflag:$0x2] =	stream.indirect.gather [hbm4b:s0+s26], $0x80, s28, s26, $0xb8;
	[tilespmem:$0x1FA20] =	vst v63  }
0x80: {  	_ =	swait.ge [sflag:s18], $0x3800  }
0x81: {  	[sflag:s18] =	ssyncset.done $0x0  }
0x82: {  	[sflag:s18] =	ssyncadd.s32 $0xFFFFC800  }
0x83: {  	[spmem:s3] =	stream.indirect.scatter.add.f32 [tilespmem:s16], [sflag:$0x4], $0x80, s29, s20, $0xb8;
	[tilespmem:$0x1FA20] =	vst v63  }
0x84: {  	_ =	swait.ge [sflag:s22], $0x3800  }
0x85: {  	[sflag:s22] =	ssyncset.done $0x0  }
0x86: {  	[sflag:s22] =	ssyncadd.s32 $0xFFFFC800  }
0x87: {  	_ =	swait.ge [sflag:s19], $0x1000  }
0x88: {  	[sflag:s19] =	ssyncset.done $0x0  }
0x89: {  	[sflag:s19] =	ssyncadd.s32 $0xFFFFF000  }
0x8a: {  	[spmem:s3] =	stream.indirect.scatter.add.f32 [tilespmem:s21], [sflag:$0x4], $0x80, s30, s26, $0xb8;
	[tilespmem:$0x1FA20] =	vst v63  }
0x8b: {  	s15 =	stileid.u32;
	_ =	swait.ge [sflag:s22], $0x1000  }
0x8c: {  	s2 =	sshrl.u32 s7, $0x3;
	s31 =	sadd.s32 $0x1, s31;
	[sflag:s22] =	ssyncset.done $0x0  }
0x8d: {  	s1 =	sshll.u32 s15, $0x6;
	p0 =	sne.s32 s31, s14;
	[sflag:s22] =	ssyncadd.s32 $0xFFFFF000  }
.Ltmp2:
0x8e: {  	s1 =	sor.u32 $0x1C04, s1;
	[bflag:$0x0] =	sbarrier.arrive $0xFFFF;
	(pc) =	sbr.rel @p0 .LBB2_1-.Ltmp2, $4  }
0x8f: {  	[hbm:s13], [sflag:s1] =	dma.local [spmem:s2], $0x2780  }
0x90: {  	_ =	swait.ge [sflag:s22], $0x2780  }
0x91: {  	[sflag:s22] =	ssyncset.done $0x0  }
0x92: {  	[sflag:s22] =	ssyncadd.s32 $0xFFFFD880  }
0x93: {  	_ =	sfence.sel $0x180000  }
0x94: {  	[bflag:$0x0] =	sbarrier.arrive $0xFFFF  }
0x95: {  	_ =	strace $0x90000047  }
0x96: {  	s0 =	stileid.u32;
	[bflag:$0x2] =	sbarrier.arrive $0xFFFF  }
0x97: {  	p0 =	sne.s32 s0, $0x0;
	s0 =	rddreg [dreg:$0x4]  }
0x98: {  	s0 =	sadd.s32 @!p0 $0x100000, s0  }
0x99: {  	[sflag:s0] =	ssyncadd.tile.s32 @!p0 $0x1;
	_ =	shalt  }
.Lfunc_end2:
_tile_overlayer_lowered:
.L_overlay_start_2:
0x9a: {  	(tag) =	ssettag $0x2  }
0x9b: {  	s0 =	rddreg [dreg:$0x0];
	s2 =	stileid.u32  }
0x9c: {  	s1 =	rddreg [dreg:$0x1];
	p0 =	sne.s32 s2, $0x0  }
0x9d: {  	s3 =	rddreg [dreg:$0x2];
	[bflag:$0x3] =	sbarrier.arrive $0xFFFF;
	s2 =	simm.s32 @!p0 $0x1C04  }
0x9e: {  	[timem:s3], [sflag:s2] =	dma.local @!p0 [hbm:s0], s1  }
0x9f: {  	s0 =	simm.s32 @!p0 $0x4  }
0xa0: {  	_ =	swait.ge @!p0 [sflag:s0], s1  }
0xa1: {  	s1 =	ssub.s32 @!p0 $0x0, s1;
	[sflag:s0] =	ssyncset.done @!p0 $0x0  }
0xa2: {  	[sflag:s0] =	ssyncadd.s32 @!p0 s1  }
0xa3: {  	[bflag:$0x3] =	sbarrier.arrive $0xFFFF  }
0xa4: {  	_ =	shalt  }

</sc_bundles>
